<compile_context>
chip_gen: v7x
topology: tpu7x:2x2x1
jax: 0.10.2.dev20260603
libtpu: 0.0.44.dev20260713+nightly
codegen_flags: <defaults>
</compile_context>

<pallas_src>
import functools

import jax
import jax.numpy as jnp
from jax import lax
from jax.experimental import pallas as pl
from jax.experimental.pallas import tpu as pltpu
from jax.experimental.pallas import tpu_sc as plsc

CUTOFF2 = 25.0
N_NODES = 100000
N_EDGES = 6400000
N_MOL = 1024
MAX_Z = 100

NC, NS, LANES = 2, 16, 16
NW = NC * NS
NODES_PAD = 100352
NODES_PER_W = NODES_PAD // NW
EPW = N_EDGES // NW
CHUNK = 4000
NCHUNK = EPW // CHUNK
D2B = 640000
RSCALE = float(2 ** 20)

_mesh = plsc.VectorSubcoreMesh(core_axis_name="c", subcore_axis_name="s")
_sc_params = pltpu.CompilerParams(needs_layout_passes=False)


def _table_body(z_hbm, film_hbm, idxm_hbm, rtab_hbm, packed_hbm,
                z_v, film_v, idxm_v, rtab_v, packed_v):
    wid = lax.axis_index("s") * NC + lax.axis_index("c")
    base = wid * NODES_PER_W
    pltpu.sync_copy(rtab_hbm, rtab_v)
    pltpu.sync_copy(z_hbm.at[pl.ds(base, NODES_PER_W)], z_v)
    pltpu.sync_copy(film_hbm.at[pl.ds(base, NODES_PER_W)], film_v)
    pltpu.sync_copy(idxm_hbm.at[pl.ds(base, NODES_PER_W)], idxm_v)

    @pl.loop(0, NODES_PER_W // LANES)
    def _node_vec(t):
        o = t * LANES
        z = z_v[pl.ds(o, LANES)]
        f = film_v[pl.ds(o, LANES)]
        m = idxm_v[pl.ds(o, LANES)]
        r = plsc.load_gather(rtab_v, [f * MAX_Z + z])
        u = (r * RSCALE + 0.5).astype(jnp.int32)
        packed_v[pl.ds(o, LANES)] = (u << 10) | m

    pltpu.sync_copy(packed_v, packed_hbm.at[pl.ds(base, NODES_PER_W)])


_build_table = pl.kernel(
    _table_body,
    out_type=jax.ShapeDtypeStruct((NODES_PAD,), jnp.int32),
    mesh=_mesh,
    scratch_types=[
        pltpu.VMEM((NODES_PER_W,), jnp.int32),
        pltpu.VMEM((NODES_PER_W,), jnp.int32),
        pltpu.VMEM((NODES_PER_W,), jnp.int32),
        pltpu.VMEM((2 * MAX_Z,), jnp.float32),
        pltpu.VMEM((NODES_PER_W,), jnp.int32),
    ],
    compiler_params=_sc_params,
)


def _edge_body(packed_hbm, idx_i_hbm, idx_j_hbm, d2_hbm, out_hbm,
               table_v, acc_v, ii0, jj0, d0, ii1, jj1, d1,
               sem0, sem1):
    wid = lax.axis_index("s") * NC + lax.axis_index("c")
    ibase = wid * EPW
    dbase = wid * EPW
    pltpu.sync_copy(packed_hbm, table_v)

    zeros = jnp.zeros((LANES,), jnp.float32)

    @pl.loop(0, N_MOL // LANES)
    def _zero(c):
        acc_v[pl.ds(c * LANES, LANES)] = zeros

    bufs = ((ii0, jj0, d0, sem0), (ii1, jj1, d1, sem1))

    def issue(buf, k):
        ii_v, jj_v, d_v, sem = buf
        co = k * CHUNK
        pltpu.async_copy(idx_i_hbm.at[pl.ds(ibase + co, CHUNK)], ii_v, sem)
        pltpu.async_copy(idx_j_hbm.at[pl.ds(ibase + co, CHUNK)], jj_v, sem)
        pltpu.async_copy(d2_hbm.at[pl.ds(dbase + co, CHUNK)], d_v, sem)

    def drain(buf):
        ii_v, jj_v, d_v, sem = buf
        pltpu.make_async_copy(idx_i_hbm.at[pl.ds(0, CHUNK)], ii_v, sem).wait()
        pltpu.make_async_copy(idx_j_hbm.at[pl.ds(0, CHUNK)], jj_v, sem).wait()
        pltpu.make_async_copy(d2_hbm.at[pl.ds(0, CHUNK)], d_v, sem).wait()

    def process(buf):
        ii_v, jj_v, d_v, _ = buf

        @plsc.parallel_loop(0, CHUNK // LANES, unroll=8)
        def _vec(t):
            o = t * LANES
            ii = ii_v[pl.ds(o, LANES)]
            jj = jj_v[pl.ds(o, LANES)]
            d2 = d_v[pl.ds(o, LANES)]
            pi = plsc.load_gather(table_v, [ii])
            pj = plsc.load_gather(table_v, [jj])
            mol = pi & (N_MOL - 1)
            ri = (pi >> 10).astype(jnp.float32)
            rj = (pj >> 10).astype(jnp.float32)
            s = (ri + rj) * (1.0 / RSCALE)
            s2 = s * s
            num = s2 * s2 * s2
            den = d2 * d2 * d2
            pot = jnp.where(d2 <= CUTOFF2, num / den, 0.0)
            plsc.addupdate_scatter(acc_v, [mol], pot)

    issue(bufs[0], 0)

    @pl.loop(0, NCHUNK, step=2)
    def _chunk(k):
        issue(bufs[1], k + 1)
        drain(bufs[0])
        process(bufs[0])

        @pl.when(k + 2 < NCHUNK)
        def _():
            issue(bufs[0], k + 2)

        drain(bufs[1])
        process(bufs[1])

    pltpu.sync_copy(acc_v, out_hbm.at[wid])


_edge_kernel = pl.kernel(
    _edge_body,
    out_type=jax.ShapeDtypeStruct((NW, N_MOL), jnp.float32),
    mesh=_mesh,
    scratch_types=[
        pltpu.VMEM((NODES_PAD,), jnp.int32),
        pltpu.VMEM((N_MOL,), jnp.float32),
        pltpu.VMEM((CHUNK,), jnp.int32),
        pltpu.VMEM((CHUNK,), jnp.int32),
        pltpu.VMEM((CHUNK,), jnp.float32),
        pltpu.VMEM((CHUNK,), jnp.int32),
        pltpu.VMEM((CHUNK,), jnp.int32),
        pltpu.VMEM((CHUNK,), jnp.float32),
        pltpu.SemaphoreType.DMA,
        pltpu.SemaphoreType.DMA,
    ],
    compiler_params=_sc_params,
)


def _d2_body(r_ref, o_ref):
    r = r_ref[...]
    sq = r * r
    o_ref[...] = sq[0] + sq[1] + sq[2]


_d2 = pl.pallas_call(
    _d2_body,
    grid=(N_EDGES // D2B,),
    in_specs=[pl.BlockSpec((3, D2B), lambda i: (0, i))],
    out_specs=pl.BlockSpec((D2B,), lambda i: (i,)),
    out_shape=jax.ShapeDtypeStruct((N_EDGES,), jnp.float32),
)


def _reduce_body(p_ref, o_ref):
    o_ref[...] = jnp.sum(p_ref[...], axis=0)


_reduce = pl.pallas_call(
    _reduce_body,
    out_shape=jax.ShapeDtypeStruct((N_MOL,), jnp.float32),
)


def kernel(Z, idx_m, Rij, idx_i, idx_j, is_film, radius_table):
    pad = NODES_PAD - N_NODES
    z_p = jnp.pad(Z.astype(jnp.int32), (0, pad))
    f_p = jnp.pad(is_film.astype(jnp.int32), (0, pad))
    m_p = jnp.pad(idx_m.astype(jnp.int32), (0, pad))
    rtab = radius_table.reshape(-1).astype(jnp.float32)
    packed = _build_table(z_p, f_p, m_p, rtab)
    rt = Rij.T
    d2 = _d2(rt)
    partials = _edge_kernel(packed, idx_i.astype(jnp.int32),
                            idx_j.astype(jnp.int32), d2)
    return _reduce(partials)

# --- scband reference (transcript-rebuilt; emitter-appended) ---
"""Pipeline reference for scband-sphere-overlap-33543694582096 (READ-ONLY COPY).

The authoritative reference and input builder live on the scoring server;
editing this copy changes nothing except your own understanding.
"""

import jax, jax.numpy as jnp
import numpy as np

CUTOFF = 5.0
N_NODES = 100000
N_EDGES = 6400000
N_MOL = 1024
MAX_Z = 100


def setup_inputs(seed: int = 0) -> dict:
    key = jax.random.key(seed)
    ks = jax.random.split(key, 7)
    Z = jax.random.randint(ks[0], (N_NODES,), 0, MAX_Z)
    idx_m = jnp.sort(jax.random.randint(ks[1], (N_NODES,), 0, N_MOL))
    idx_m = idx_m.at[-1].set(N_MOL - 1)  # pin n_molecules = N_MOL
    Rij = jax.random.normal(ks[2], (N_EDGES, 3), dtype=jnp.float32)
    idx_i = jax.random.randint(ks[3], (N_EDGES,), 0, N_NODES)
    idx_j = jax.random.randint(ks[4], (N_EDGES,), 0, N_NODES)
    is_film = jax.random.randint(ks[5], (N_NODES,), 0, 2)
    # radius_dict[(is_film, Z)] -> dense lookup table [2, MAX_Z], positive radii
    radius_table = 0.5 + jax.random.uniform(ks[6], (2, MAX_Z), dtype=jnp.float32)
    return {"Z": Z, "idx_m": idx_m, "Rij": Rij, "idx_i": idx_i, "idx_j": idx_j,
            "is_film": is_film, "radius_table": radius_table}


def overlap_potential(d_ij, r_i, r_j):
    return ((r_i + r_j) / d_ij) ** 6


def reference(Z, idx_m, Rij, idx_i, idx_j, is_film, radius_table):
    d_ij = jnp.sqrt(jnp.sum(Rij * Rij, axis=1))
    # gather per-edge radii: radius_dict[(is_film[idx], Z[idx])]
    r_i = radius_table[is_film[idx_i], Z[idx_i]].astype(jnp.float32)
    r_j = radius_table[is_film[idx_j], Z[idx_j]].astype(jnp.float32)
    potential = overlap_potential(d_ij, r_i, r_j)
    potential = jnp.where(d_ij <= CUTOFF, potential, jnp.zeros_like(potential))
    y = jax.ops.segment_sum(potential, idx_i, num_segments=N_NODES)
    y = jax.ops.segment_sum(y, idx_m, num_segments=N_MOL)
    y = jnp.squeeze(y)
    return y

if __name__ == "__main__":
    import jax
    _d = setup_inputs()
    print(jax.jit(kernel)(*tuple(_d.values())))

</pallas_src>

<mosaic_0001>
#map = affine_map<(d0, d1) -> (0)>
#map1 = affine_map<(d0, d1) -> (0, 0)>
module attributes {stable_mosaic.version = 14 : i64} {
  func.func @_edge_body(%arg0: i32, %arg1: i32, %arg2: memref<100352xi32, #tpu.memory_space<hbm>>, %arg3: memref<6400000xi32, #tpu.memory_space<hbm>>, %arg4: memref<6400000xi32, #tpu.memory_space<hbm>>, %arg5: memref<6400000xf32, #tpu.memory_space<hbm>>, %arg6: memref<32x1024xf32, #tpu.memory_space<hbm>>, %arg7: memref<100352xi32, #tpu.memory_space<vmem>>, %arg8: memref<1024xf32, #tpu.memory_space<vmem>>, %arg9: memref<4000xi32, #tpu.memory_space<vmem>>, %arg10: memref<4000xi32, #tpu.memory_space<vmem>>, %arg11: memref<4000xf32, #tpu.memory_space<vmem>>, %arg12: memref<4000xi32, #tpu.memory_space<vmem>>, %arg13: memref<4000xi32, #tpu.memory_space<vmem>>, %arg14: memref<4000xf32, #tpu.memory_space<vmem>>, %arg15: memref<!tpu.dma_semaphore, #tpu.memory_space<semaphore_mem>>, %arg16: memref<!tpu.dma_semaphore, #tpu.memory_space<semaphore_mem>>) attributes {dimension_semantics = [#tpu.dimension_semantics<core_parallel>, #tpu.dimension_semantics<subcore_parallel>], iteration_bounds = array<i64: 2, 16>, scalar_prefetch = 0 : i64, scratch_operands = 10 : i64, tpu.core_type = #tpu.core_type<sc_vector_subcore>, window_params = [{transform_indices = #map}, {transform_indices = #map}, {transform_indices = #map}, {transform_indices = #map}, {transform_indices = #map1}]} {
    %mul3A = arith.constant 2 : i32
    %mul3A_0 = arith.muli %arg1, %mul3A : i32
    %add3A = arith.addi %mul3A_0, %arg0 : i32
    %mul3A_1 = arith.constant 200000 : i32
    %mul3A_2 = arith.muli %add3A, %mul3A_1 : i32
    %mul3A_3 = arith.constant 200000 : i32
    %mul3A_4 = arith.muli %add3A, %mul3A_3 : i32
    "tpu.region"() ({
      %run_scoped3A = tpu.sem_alloc : memref<!tpu.dma_semaphore, #tpu.memory_space<semaphore_mem>>
      tpu.enqueue_dma source(%arg2 : memref<100352xi32, #tpu.memory_space<hbm>>) target(%arg7 : memref<100352xi32, #tpu.memory_space<vmem>>) target_semaphore(%run_scoped3A : memref<!tpu.dma_semaphore, #tpu.memory_space<semaphore_mem>>)
      tpu.wait_dma2 semaphore(%run_scoped3A : memref<!tpu.dma_semaphore, #tpu.memory_space<semaphore_mem>>) src(%arg2 : memref<100352xi32, #tpu.memory_space<hbm>>) dst(%arg7 : memref<100352xi32, #tpu.memory_space<vmem>>)
      tpu.yield
    }) : () -> ()
    %broadcast_in_dim3A = arith.constant 0.000000e+00 : f32
    %broadcast_in_dim3A_5 = vector.broadcast %broadcast_in_dim3A : f32 to vector<16xf32>
    %scan3A = arith.constant 0 : i32
    %scan3A_6 = arith.constant 64 : i32
    %scan3A_7 = arith.addi %scan3A, %scan3A_6 : i32
    %scan3A_8 = arith.constant 1 : i32
    scf.for %scan3A_26 = %scan3A to %scan3A_7 step %scan3A_8  : i32 {
      %mul3A_27 = arith.constant 1 : i32
      %mul3A_28 = arith.muli %scan3A_26, %mul3A_27 : i32
      %add3A_29 = arith.constant 0 : i32
      %add3A_30 = arith.addi %add3A_29, %mul3A_28 : i32
      %mul3A_31 = arith.constant 16 : i32
      %mul3A_32 = arith.muli %add3A_30, %mul3A_31 : i32
      %swap3A = arith.index_cast %mul3A_32 : i32 to index
      %swap3A_33 = tpu.vector_load %arg8[%swap3A] {strides = array<i32>} : memref<1024xf32, #tpu.memory_space<vmem>>, vector<16xf32>,
      tpu.vector_store %arg8[%swap3A], %broadcast_in_dim3A_5 {strides = array<i32>} : memref<1024xf32, #tpu.memory_space<vmem>>, vector<16xf32>,
    }
    %scan3A_9 = arith.constant 64 : i32
    %add3A_10 = arith.constant 0 : i32
    %add3A_11 = arith.addi %mul3A_2, %add3A_10 : i32
    %dma_start3A = tpu.memref_slice %arg3[%add3A_11] : memref<6400000xi32, #tpu.memory_space<hbm>> -> memref<4000xi32, #tpu.memory_space<hbm>>
    %dma_start3A_12 = tpu.memref_slice %arg3[%add3A_11] : memref<6400000xi32, #tpu.memory_space<hbm>> -> memref<4000xi32, #tpu.memory_space<hbm>>
    tpu.enqueue_dma source(%dma_start3A_12 : memref<4000xi32, #tpu.memory_space<hbm>>) target(%arg9 : memref<4000xi32, #tpu.memory_space<vmem>>) target_semaphore(%arg15 : memref<!tpu.dma_semaphore, #tpu.memory_space<semaphore_mem>>)
    %add3A_13 = arith.constant 0 : i32
    %add3A_14 = arith.addi %mul3A_2, %add3A_13 : i32
    %dma_start3A_15 = tpu.memref_slice %arg4[%add3A_14] : memref<6400000xi32, #tpu.memory_space<hbm>> -> memref<4000xi32, #tpu.memory_space<hbm>>
    %dma_start3A_16 = tpu.memref_slice %arg4[%add3A_14] : memref<6400000xi32, #tpu.memory_space<hbm>> -> memref<4000xi32, #tpu.memory_space<hbm>>
    tpu.enqueue_dma source(%dma_start3A_16 : memref<4000xi32, #tpu.memory_space<hbm>>) target(%arg10 : memref<4000xi32, #tpu.memory_space<vmem>>) target_semaphore(%arg15 : memref<!tpu.dma_semaphore, #tpu.memory_space<semaphore_mem>>)
    %add3A_17 = arith.constant 0 : i32
    %add3A_18 = arith.addi %mul3A_4, %add3A_17 : i32
    %dma_start3A_19 = tpu.memref_slice %arg5[%add3A_18] : memref<6400000xf32, #tpu.memory_space<hbm>> -> memref<4000xf32, #tpu.memory_space<hbm>>
    %dma_start3A_20 = tpu.memref_slice %arg5[%add3A_18] : memref<6400000xf32, #tpu.memory_space<hbm>> -> memref<4000xf32, #tpu.memory_space<hbm>>
    tpu.enqueue_dma source(%dma_start3A_20 : memref<4000xf32, #tpu.memory_space<hbm>>) target(%arg11 : memref<4000xf32, #tpu.memory_space<vmem>>) target_semaphore(%arg15 : memref<!tpu.dma_semaphore, #tpu.memory_space<semaphore_mem>>)
    %scan3A_21 = arith.constant 0 : i32
    %scan3A_22 = arith.constant 25 : i32
    %scan3A_23 = arith.addi %scan3A_21, %scan3A_22 : i32
    %scan3A_24 = arith.constant 1 : i32
    scf.for %scan3A_26 = %scan3A_21 to %scan3A_23 step %scan3A_24  : i32 {
      %mul3A_27 = arith.constant 2 : i32
      %mul3A_28 = arith.muli %scan3A_26, %mul3A_27 : i32
      %add3A_29 = arith.constant 0 : i32
      %add3A_30 = arith.addi %add3A_29, %mul3A_28 : i32
      %add3A_31 = arith.constant 1 : i32
      %add3A_32 = arith.addi %add3A_30, %add3A_31 : i32
      %mul3A_33 = arith.constant 4000 : i32
      %mul3A_34 = arith.muli %add3A_32, %mul3A_33 : i32
      %add3A_35 = arith.addi %mul3A_2, %mul3A_34 : i32
      %dma_start3A_36 = tpu.memref_slice %arg3[%add3A_35] : memref<6400000xi32, #tpu.memory_space<hbm>> -> memref<4000xi32, #tpu.memory_space<hbm>>
      %dma_start3A_37 = tpu.memref_slice %arg3[%add3A_35] : memref<6400000xi32, #tpu.memory_space<hbm>> -> memref<4000xi32, #tpu.memory_space<hbm>>
      tpu.enqueue_dma source(%dma_start3A_37 : memref<4000xi32, #tpu.memory_space<hbm>>) target(%arg12 : memref<4000xi32, #tpu.memory_space<vmem>>) target_semaphore(%arg16 : memref<!tpu.dma_semaphore, #tpu.memory_space<semaphore_mem>>)
      %add3A_38 = arith.addi %mul3A_2, %mul3A_34 : i32
      %dma_start3A_39 = tpu.memref_slice %arg4[%add3A_38] : memref<6400000xi32, #tpu.memory_space<hbm>> -> memref<4000xi32, #tpu.memory_space<hbm>>
      %dma_start3A_40 = tpu.memref_slice %arg4[%add3A_38] : memref<6400000xi32, #tpu.memory_space<hbm>> -> memref<4000xi32, #tpu.memory_space<hbm>>
      tpu.enqueue_dma source(%dma_start3A_40 : memref<4000xi32, #tpu.memory_space<hbm>>) target(%arg13 : memref<4000xi32, #tpu.memory_space<vmem>>) target_semaphore(%arg16 : memref<!tpu.dma_semaphore, #tpu.memory_space<semaphore_mem>>)
      %add3A_41 = arith.addi %mul3A_4, %mul3A_34 : i32
      %dma_start3A_42 = tpu.memref_slice %arg5[%add3A_41] : memref<6400000xf32, #tpu.memory_space<hbm>> -> memref<4000xf32, #tpu.memory_space<hbm>>
      %dma_start3A_43 = tpu.memref_slice %arg5[%add3A_41] : memref<6400000xf32, #tpu.memory_space<hbm>> -> memref<4000xf32, #tpu.memory_space<hbm>>
      tpu.enqueue_dma source(%dma_start3A_43 : memref<4000xf32, #tpu.memory_space<hbm>>) target(%arg14 : memref<4000xf32, #tpu.memory_space<vmem>>) target_semaphore(%arg16 : memref<!tpu.dma_semaphore, #tpu.memory_space<semaphore_mem>>)
      %dma_wait3A = arith.constant 0 : i32
      %dma_wait3A_44 = tpu.memref_slice %arg3[%dma_wait3A] : memref<6400000xi32, #tpu.memory_space<hbm>> -> memref<4000xi32, #tpu.memory_space<hbm>>
      %dma_wait3A_45 = arith.constant 0 : i32
      %dma_wait3A_46 = tpu.memref_slice %arg3[%dma_wait3A_45] : memref<6400000xi32, #tpu.memory_space<hbm>> -> memref<4000xi32, #tpu.memory_space<hbm>>
      tpu.wait_dma2 semaphore(%arg15 : memref<!tpu.dma_semaphore, #tpu.memory_space<semaphore_mem>>) src(%dma_wait3A_46 : memref<4000xi32, #tpu.memory_space<hbm>>) dst(%arg9 : memref<4000xi32, #tpu.memory_space<vmem>>)
      %dma_wait3A_47 = arith.constant 0 : i32
      %dma_wait3A_48 = tpu.memref_slice %arg4[%dma_wait3A_47] : memref<6400000xi32, #tpu.memory_space<hbm>> -> memref<4000xi32, #tpu.memory_space<hbm>>
      %dma_wait3A_49 = arith.constant 0 : i32
      %dma_wait3A_50 = tpu.memref_slice %arg4[%dma_wait3A_49] : memref<6400000xi32, #tpu.memory_space<hbm>> -> memref<4000xi32, #tpu.memory_space<hbm>>
      tpu.wait_dma2 semaphore(%arg15 : memref<!tpu.dma_semaphore, #tpu.memory_space<semaphore_mem>>) src(%dma_wait3A_50 : memref<4000xi32, #tpu.memory_space<hbm>>) dst(%arg10 : memref<4000xi32, #tpu.memory_space<vmem>>)
      %dma_wait3A_51 = arith.constant 0 : i32
      %dma_wait3A_52 = tpu.memref_slice %arg5[%dma_wait3A_51] : memref<6400000xf32, #tpu.memory_space<hbm>> -> memref<4000xf32, #tpu.memory_space<hbm>>
      %dma_wait3A_53 = arith.constant 0 : i32
      %dma_wait3A_54 = tpu.memref_slice %arg5[%dma_wait3A_53] : memref<6400000xf32, #tpu.memory_space<hbm>> -> memref<4000xf32, #tpu.memory_space<hbm>>
      tpu.wait_dma2 semaphore(%arg15 : memref<!tpu.dma_semaphore, #tpu.memory_space<semaphore_mem>>) src(%dma_wait3A_54 : memref<4000xf32, #tpu.memory_space<hbm>>) dst(%arg11 : memref<4000xf32, #tpu.memory_space<vmem>>)
      %parallel_loop3A = arith.constant 0 : i32
      %parallel_loop3A_55 = arith.constant 250 : i32
      %parallel_loop3A_56 = arith.constant 1 : i32
      scf.for %parallel_loop3A_76 = %parallel_loop3A to %parallel_loop3A_55 step %parallel_loop3A_56  : i32 {
        %parallel_loop3A_77 = arith.constant 16 : i32
        %parallel_loop3A_78 = arith.muli %parallel_loop3A_76, %parallel_loop3A_77 : i32
        %parallel_loop3A_79 = arith.index_cast %parallel_loop3A_78 : i32 to index
        %parallel_loop3A_80 = tpu.vector_load %arg9[%parallel_loop3A_79] {strides = array<i32>} : memref<4000xi32, #tpu.memory_space<vmem>>, vector<16xi32>,
        %parallel_loop3A_81 = arith.index_cast %parallel_loop3A_78 : i32 to index
        %parallel_loop3A_82 = tpu.vector_load %arg10[%parallel_loop3A_81] {strides = array<i32>} : memref<4000xi32, #tpu.memory_space<vmem>>, vector<16xi32>,
        %parallel_loop3A_83 = arith.index_cast %parallel_loop3A_78 : i32 to index
        %parallel_loop3A_84 = tpu.vector_load %arg11[%parallel_loop3A_83] {strides = array<i32>} : memref<4000xf32, #tpu.memory_space<vmem>>, vector<16xf32>,
        %parallel_loop3A_85 = tpu.vector_load_idx %arg7[%parallel_loop3A_80] : memref<100352xi32, #tpu.memory_space<vmem>>[vector<16xi32>], vector<16xi32>,
        %parallel_loop3A_86 = tpu.vector_load_idx %arg7[%parallel_loop3A_82] : memref<100352xi32, #tpu.memory_space<vmem>>[vector<16xi32>], vector<16xi32>,
        %parallel_loop3A_87 = arith.constant 1023 : i32
        %parallel_loop3A_88 = vector.broadcast %parallel_loop3A_87 : i32 to vector<16xi32>
        %parallel_loop3A_89 = arith.andi %parallel_loop3A_85, %parallel_loop3A_88 : vector<16xi32>
        %parallel_loop3A_90 = arith.constant 10 : i32
        %parallel_loop3A_91 = vector.broadcast %parallel_loop3A_90 : i32 to vector<16xi32>
        %parallel_loop3A_92 = arith.shrsi %parallel_loop3A_85, %parallel_loop3A_91 : vector<16xi32>
        %parallel_loop3A_93 = arith.sitofp %parallel_loop3A_92 : vector<16xi32> to vector<16xf32>
        %parallel_loop3A_94 = arith.constant 10 : i32
        %parallel_loop3A_95 = vector.broadcast %parallel_loop3A_94 : i32 to vector<16xi32>
        %parallel_loop3A_96 = arith.shrsi %parallel_loop3A_86, %parallel_loop3A_95 : vector<16xi32>
        %parallel_loop3A_97 = arith.sitofp %parallel_loop3A_96 : vector<16xi32> to vector<16xf32>
        %parallel_loop3A_98 = arith.addf %parallel_loop3A_93, %parallel_loop3A_97 : vector<16xf32>
        %parallel_loop3A_99 = arith.constant 9.53674316E-7 : f32
        %parallel_loop3A_100 = vector.broadcast %parallel_loop3A_99 : f32 to vector<16xf32>
        %parallel_loop3A_101 = arith.mulf %parallel_loop3A_98, %parallel_loop3A_100 : vector<16xf32>
        %parallel_loop3A_102 = arith.mulf %parallel_loop3A_101, %parallel_loop3A_101 : vector<16xf32>
        %parallel_loop3A_103 = arith.mulf %parallel_loop3A_102, %parallel_loop3A_102 : vector<16xf32>
        %parallel_loop3A_104 = arith.mulf %parallel_loop3A_103, %parallel_loop3A_102 : vector<16xf32>
        %parallel_loop3A_105 = arith.mulf %parallel_loop3A_84, %parallel_loop3A_84 : vector<16xf32>
        %parallel_loop3A_106 = arith.mulf %parallel_loop3A_105, %parallel_loop3A_84 : vector<16xf32>
        %parallel_loop3A_107 = arith.constant 2.500000e+01 : f32
        %parallel_loop3A_108 = vector.broadcast %parallel_loop3A_107 : f32 to vector<16xf32>
        %parallel_loop3A_109 = arith.cmpf ole, %parallel_loop3A_84, %parallel_loop3A_108 : vector<16xf32>
        %parallel_loop3A_110 = arith.divf %parallel_loop3A_104, %parallel_loop3A_106 : vector<16xf32>
        %parallel_loop3A_111 = arith.constant 0.000000e+00 : f32
        %parallel_loop3A_112 = vector.broadcast %parallel_loop3A_111 : f32 to vector<16xf32>
        %parallel_loop3A_113 = arith.select %parallel_loop3A_109, %parallel_loop3A_110, %parallel_loop3A_112 : vector<16xi1>, vector<16xf32>
        tpu.vector_store_idx %arg8[%parallel_loop3A_89], %parallel_loop3A_113 {add = true} : memref<1024xf32, #tpu.memory_space<vmem>>[vector<16xi32>], vector<16xf32>,
      } {sc.loop_unroll_factor = 8 : i64, sc.parallel_access}
      %add3A_57 = arith.constant 2 : i32
      %add3A_58 = arith.addi %add3A_30, %add3A_57 : i32
      %lt3A = arith.constant 50 : i32
      %lt3A_59 = arith.cmpi slt, %add3A_58, %lt3A : i32
      %convert_element_type3A = arith.extui %lt3A_59 : i1 to i32
      %cond3A = arith.constant 0 : i32
      %cond3A_60 = arith.cmpi ne, %convert_element_type3A, %cond3A : i32
      scf.if %cond3A_60 {
        %add3A_76 = arith.constant 2 : i32
        %add3A_77 = arith.addi %add3A_30, %add3A_76 : i32
        %mul3A_78 = arith.constant 4000 : i32
        %mul3A_79 = arith.muli %add3A_77, %mul3A_78 : i32
        %add3A_80 = arith.addi %mul3A_2, %mul3A_79 : i32
        %dma_start3A_81 = tpu.memref_slice %arg3[%add3A_80] : memref<6400000xi32, #tpu.memory_space<hbm>> -> memref<4000xi32, #tpu.memory_space<hbm>>
        %dma_start3A_82 = tpu.memref_slice %arg3[%add3A_80] : memref<6400000xi32, #tpu.memory_space<hbm>> -> memref<4000xi32, #tpu.memory_space<hbm>>
        tpu.enqueue_dma source(%dma_start3A_82 : memref<4000xi32, #tpu.memory_space<hbm>>) target(%arg9 : memref<4000xi32, #tpu.memory_space<vmem>>) target_semaphore(%arg15 : memref<!tpu.dma_semaphore, #tpu.memory_space<semaphore_mem>>)
        %add3A_83 = arith.addi %mul3A_2, %mul3A_79 : i32
        %dma_start3A_84 = tpu.memref_slice %arg4[%add3A_83] : memref<6400000xi32, #tpu.memory_space<hbm>> -> memref<4000xi32, #tpu.memory_space<hbm>>
        %dma_start3A_85 = tpu.memref_slice %arg4[%add3A_83] : memref<6400000xi32, #tpu.memory_space<hbm>> -> memref<4000xi32, #tpu.memory_space<hbm>>
        tpu.enqueue_dma source(%dma_start3A_85 : memref<4000xi32, #tpu.memory_space<hbm>>) target(%arg10 : memref<4000xi32, #tpu.memory_space<vmem>>) target_semaphore(%arg15 : memref<!tpu.dma_semaphore, #tpu.memory_space<semaphore_mem>>)
        %add3A_86 = arith.addi %mul3A_4, %mul3A_79 : i32
        %dma_start3A_87 = tpu.memref_slice %arg5[%add3A_86] : memref<6400000xf32, #tpu.memory_space<hbm>> -> memref<4000xf32, #tpu.memory_space<hbm>>
        %dma_start3A_88 = tpu.memref_slice %arg5[%add3A_86] : memref<6400000xf32, #tpu.memory_space<hbm>> -> memref<4000xf32, #tpu.memory_space<hbm>>
        tpu.enqueue_dma source(%dma_start3A_88 : memref<4000xf32, #tpu.memory_space<hbm>>) target(%arg11 : memref<4000xf32, #tpu.memory_space<vmem>>) target_semaphore(%arg15 : memref<!tpu.dma_semaphore, #tpu.memory_space<semaphore_mem>>)
      } else {
      }
      %dma_wait3A_61 = arith.constant 0 : i32
      %dma_wait3A_62 = tpu.memref_slice %arg3[%dma_wait3A_61] : memref<6400000xi32, #tpu.memory_space<hbm>> -> memref<4000xi32, #tpu.memory_space<hbm>>
      %dma_wait3A_63 = arith.constant 0 : i32
      %dma_wait3A_64 = tpu.memref_slice %arg3[%dma_wait3A_63] : memref<6400000xi32, #tpu.memory_space<hbm>> -> memref<4000xi32, #tpu.memory_space<hbm>>
      tpu.wait_dma2 semaphore(%arg16 : memref<!tpu.dma_semaphore, #tpu.memory_space<semaphore_mem>>) src(%dma_wait3A_64 : memref<4000xi32, #tpu.memory_space<hbm>>) dst(%arg12 : memref<4000xi32, #tpu.memory_space<vmem>>)
      %dma_wait3A_65 = arith.constant 0 : i32
      %dma_wait3A_66 = tpu.memref_slice %arg4[%dma_wait3A_65] : memref<6400000xi32, #tpu.memory_space<hbm>> -> memref<4000xi32, #tpu.memory_space<hbm>>
      %dma_wait3A_67 = arith.constant 0 : i32
      %dma_wait3A_68 = tpu.memref_slice %arg4[%dma_wait3A_67] : memref<6400000xi32, #tpu.memory_space<hbm>> -> memref<4000xi32, #tpu.memory_space<hbm>>
      tpu.wait_dma2 semaphore(%arg16 : memref<!tpu.dma_semaphore, #tpu.memory_space<semaphore_mem>>) src(%dma_wait3A_68 : memref<4000xi32, #tpu.memory_space<hbm>>) dst(%arg13 : memref<4000xi32, #tpu.memory_space<vmem>>)
      %dma_wait3A_69 = arith.constant 0 : i32
      %dma_wait3A_70 = tpu.memref_slice %arg5[%dma_wait3A_69] : memref<6400000xf32, #tpu.memory_space<hbm>> -> memref<4000xf32, #tpu.memory_space<hbm>>
      %dma_wait3A_71 = arith.constant 0 : i32
      %dma_wait3A_72 = tpu.memref_slice %arg5[%dma_wait3A_71] : memref<6400000xf32, #tpu.memory_space<hbm>> -> memref<4000xf32, #tpu.memory_space<hbm>>
      tpu.wait_dma2 semaphore(%arg16 : memref<!tpu.dma_semaphore, #tpu.memory_space<semaphore_mem>>) src(%dma_wait3A_72 : memref<4000xf32, #tpu.memory_space<hbm>>) dst(%arg14 : memref<4000xf32, #tpu.memory_space<vmem>>)
      %parallel_loop3A_73 = arith.constant 0 : i32
      %parallel_loop3A_74 = arith.constant 250 : i32
      %parallel_loop3A_75 = arith.constant 1 : i32
      scf.for %parallel_loop3A_76 = %parallel_loop3A_73 to %parallel_loop3A_74 step %parallel_loop3A_75  : i32 {
        %parallel_loop3A_77 = arith.constant 16 : i32
        %parallel_loop3A_78 = arith.muli %parallel_loop3A_76, %parallel_loop3A_77 : i32
        %parallel_loop3A_79 = arith.index_cast %parallel_loop3A_78 : i32 to index
        %parallel_loop3A_80 = tpu.vector_load %arg12[%parallel_loop3A_79] {strides = array<i32>} : memref<4000xi32, #tpu.memory_space<vmem>>, vector<16xi32>,
        %parallel_loop3A_81 = arith.index_cast %parallel_loop3A_78 : i32 to index
        %parallel_loop3A_82 = tpu.vector_load %arg13[%parallel_loop3A_81] {strides = array<i32>} : memref<4000xi32, #tpu.memory_space<vmem>>, vector<16xi32>,
        %parallel_loop3A_83 = arith.index_cast %parallel_loop3A_78 : i32 to index
        %parallel_loop3A_84 = tpu.vector_load %arg14[%parallel_loop3A_83] {strides = array<i32>} : memref<4000xf32, #tpu.memory_space<vmem>>, vector<16xf32>,
        %parallel_loop3A_85 = tpu.vector_load_idx %arg7[%parallel_loop3A_80] : memref<100352xi32, #tpu.memory_space<vmem>>[vector<16xi32>], vector<16xi32>,
        %parallel_loop3A_86 = tpu.vector_load_idx %arg7[%parallel_loop3A_82] : memref<100352xi32, #tpu.memory_space<vmem>>[vector<16xi32>], vector<16xi32>,
        %parallel_loop3A_87 = arith.constant 1023 : i32
        %parallel_loop3A_88 = vector.broadcast %parallel_loop3A_87 : i32 to vector<16xi32>
        %parallel_loop3A_89 = arith.andi %parallel_loop3A_85, %parallel_loop3A_88 : vector<16xi32>
        %parallel_loop3A_90 = arith.constant 10 : i32
        %parallel_loop3A_91 = vector.broadcast %parallel_loop3A_90 : i32 to vector<16xi32>
        %parallel_loop3A_92 = arith.shrsi %parallel_loop3A_85, %parallel_loop3A_91 : vector<16xi32>
        %parallel_loop3A_93 = arith.sitofp %parallel_loop3A_92 : vector<16xi32> to vector<16xf32>
        %parallel_loop3A_94 = arith.constant 10 : i32
        %parallel_loop3A_95 = vector.broadcast %parallel_loop3A_94 : i32 to vector<16xi32>
        %parallel_loop3A_96 = arith.shrsi %parallel_loop3A_86, %parallel_loop3A_95 : vector<16xi32>
        %parallel_loop3A_97 = arith.sitofp %parallel_loop3A_96 : vector<16xi32> to vector<16xf32>
        %parallel_loop3A_98 = arith.addf %parallel_loop3A_93, %parallel_loop3A_97 : vector<16xf32>
        %parallel_loop3A_99 = arith.constant 9.53674316E-7 : f32
        %parallel_loop3A_100 = vector.broadcast %parallel_loop3A_99 : f32 to vector<16xf32>
        %parallel_loop3A_101 = arith.mulf %parallel_loop3A_98, %parallel_loop3A_100 : vector<16xf32>
        %parallel_loop3A_102 = arith.mulf %parallel_loop3A_101, %parallel_loop3A_101 : vector<16xf32>
        %parallel_loop3A_103 = arith.mulf %parallel_loop3A_102, %parallel_loop3A_102 : vector<16xf32>
        %parallel_loop3A_104 = arith.mulf %parallel_loop3A_103, %parallel_loop3A_102 : vector<16xf32>
        %parallel_loop3A_105 = arith.mulf %parallel_loop3A_84, %parallel_loop3A_84 : vector<16xf32>
        %parallel_loop3A_106 = arith.mulf %parallel_loop3A_105, %parallel_loop3A_84 : vector<16xf32>
        %parallel_loop3A_107 = arith.constant 2.500000e+01 : f32
        %parallel_loop3A_108 = vector.broadcast %parallel_loop3A_107 : f32 to vector<16xf32>
        %parallel_loop3A_109 = arith.cmpf ole, %parallel_loop3A_84, %parallel_loop3A_108 : vector<16xf32>
        %parallel_loop3A_110 = arith.divf %parallel_loop3A_104, %parallel_loop3A_106 : vector<16xf32>
        %parallel_loop3A_111 = arith.constant 0.000000e+00 : f32
        %parallel_loop3A_112 = vector.broadcast %parallel_loop3A_111 : f32 to vector<16xf32>
        %parallel_loop3A_113 = arith.select %parallel_loop3A_109, %parallel_loop3A_110, %parallel_loop3A_112 : vector<16xi1>, vector<16xf32>
        tpu.vector_store_idx %arg8[%parallel_loop3A_89], %parallel_loop3A_113 {add = true} : memref<1024xf32, #tpu.memory_space<vmem>>[vector<16xi32>], vector<16xf32>,
      } {sc.loop_unroll_factor = 8 : i64, sc.parallel_access}
    }
    %scan3A_25 = arith.constant 25 : i32
    "tpu.region"() ({
      %run_scoped3A = tpu.sem_alloc : memref<!tpu.dma_semaphore, #tpu.memory_space<semaphore_mem>>
      %dma_start3A_26 = arith.constant 0 : i32
      %dma_start3A_27 = tpu.memref_slice %arg6[%add3A, %dma_start3A_26] : memref<32x1024xf32, #tpu.memory_space<hbm>> -> memref<1x1024xf32, #tpu.memory_space<hbm>>
      %dma_start3A_28 = tpu.memref_squeeze %dma_start3A_27 : memref<1x1024xf32, #tpu.memory_space<hbm>> -> memref<1024xf32, #tpu.memory_space<hbm>>
      %dma_start3A_29 = arith.constant 0 : i32
      %dma_start3A_30 = tpu.memref_slice %arg6[%add3A, %dma_start3A_29] : memref<32x1024xf32, #tpu.memory_space<hbm>> -> memref<1x1024xf32, #tpu.memory_space<hbm>>
      %dma_start3A_31 = tpu.memref_squeeze %dma_start3A_30 : memref<1x1024xf32, #tpu.memory_space<hbm>> -> memref<1024xf32, #tpu.memory_space<hbm>>
      tpu.enqueue_dma source(%arg8 : memref<1024xf32, #tpu.memory_space<vmem>>) target(%dma_start3A_31 : memref<1024xf32, #tpu.memory_space<hbm>>) target_semaphore(%run_scoped3A : memref<!tpu.dma_semaphore, #tpu.memory_space<semaphore_mem>>)
      %dma_wait3A = arith.constant 0 : i32
      %dma_wait3A_32 = tpu.memref_slice %arg6[%add3A, %dma_wait3A] : memref<32x1024xf32, #tpu.memory_space<hbm>> -> memref<1x1024xf32, #tpu.memory_space<hbm>>
      %dma_wait3A_33 = tpu.memref_squeeze %dma_wait3A_32 : memref<1x1024xf32, #tpu.memory_space<hbm>> -> memref<1024xf32, #tpu.memory_space<hbm>>
      %dma_wait3A_34 = arith.constant 0 : i32
      %dma_wait3A_35 = tpu.memref_slice %arg6[%add3A, %dma_wait3A_34] : memref<32x1024xf32, #tpu.memory_space<hbm>> -> memref<1x1024xf32, #tpu.memory_space<hbm>>
      %dma_wait3A_36 = tpu.memref_squeeze %dma_wait3A_35 : memref<1x1024xf32, #tpu.memory_space<hbm>> -> memref<1024xf32, #tpu.memory_space<hbm>>
      tpu.wait_dma2 semaphore(%run_scoped3A : memref<!tpu.dma_semaphore, #tpu.memory_space<semaphore_mem>>) src(%arg8 : memref<1024xf32, #tpu.memory_space<vmem>>) dst(%dma_wait3A_36 : memref<1024xf32, #tpu.memory_space<hbm>>)
      tpu.yield
    }) : () -> ()
    return
  }
}

#map = affine_map<(d0, d1) -> (0)>
module attributes {stable_mosaic.version = 14 : i64} {
  func.func @_table_body(%arg0: i32, %arg1: i32, %arg2: memref<100352xi32, #tpu.memory_space<hbm>>, %arg3: memref<100352xi32, #tpu.memory_space<hbm>>, %arg4: memref<100352xi32, #tpu.memory_space<hbm>>, %arg5: memref<200xf32, #tpu.memory_space<hbm>>, %arg6: memref<100352xi32, #tpu.memory_space<hbm>>, %arg7: memref<3136xi32, #tpu.memory_space<vmem>>, %arg8: memref<3136xi32, #tpu.memory_space<vmem>>, %arg9: memref<3136xi32, #tpu.memory_space<vmem>>, %arg10: memref<200xf32, #tpu.memory_space<vmem>>, %arg11: memref<3136xi32, #tpu.memory_space<vmem>>) attributes {dimension_semantics = [#tpu.dimension_semantics<core_parallel>, #tpu.dimension_semantics<subcore_parallel>], iteration_bounds = array<i64: 2, 16>, scalar_prefetch = 0 : i64, scratch_operands = 5 : i64, tpu.core_type = #tpu.core_type<sc_vector_subcore>, window_params = [{transform_indices = #map}, {transform_indices = #map}, {transform_indices = #map}, {transform_indices = #map}, {transform_indices = #map}]} {
    %mul3A = arith.constant 2 : i32
    %mul3A_0 = arith.muli %arg1, %mul3A : i32
    %add3A = arith.addi %mul3A_0, %arg0 : i32
    %mul3A_1 = arith.constant 3136 : i32
    %mul3A_2 = arith.muli %add3A, %mul3A_1 : i32
    "tpu.region"() ({
      %run_scoped3A = tpu.sem_alloc : memref<!tpu.dma_semaphore, #tpu.memory_space<semaphore_mem>>
      tpu.enqueue_dma source(%arg5 : memref<200xf32, #tpu.memory_space<hbm>>) target(%arg10 : memref<200xf32, #tpu.memory_space<vmem>>) target_semaphore(%run_scoped3A : memref<!tpu.dma_semaphore, #tpu.memory_space<semaphore_mem>>)
      tpu.wait_dma2 semaphore(%run_scoped3A : memref<!tpu.dma_semaphore, #tpu.memory_space<semaphore_mem>>) src(%arg5 : memref<200xf32, #tpu.memory_space<hbm>>) dst(%arg10 : memref<200xf32, #tpu.memory_space<vmem>>)
      tpu.yield
    }) : () -> ()
    "tpu.region"() ({
      %run_scoped3A = tpu.sem_alloc : memref<!tpu.dma_semaphore, #tpu.memory_space<semaphore_mem>>
      %dma_start3A = tpu.memref_slice %arg2[%mul3A_2] : memref<100352xi32, #tpu.memory_space<hbm>> -> memref<3136xi32, #tpu.memory_space<hbm>>
      %dma_start3A_7 = tpu.memref_slice %arg2[%mul3A_2] : memref<100352xi32, #tpu.memory_space<hbm>> -> memref<3136xi32, #tpu.memory_space<hbm>>
      tpu.enqueue_dma source(%dma_start3A_7 : memref<3136xi32, #tpu.memory_space<hbm>>) target(%arg7 : memref<3136xi32, #tpu.memory_space<vmem>>) target_semaphore(%run_scoped3A : memref<!tpu.dma_semaphore, #tpu.memory_space<semaphore_mem>>)
      %dma_wait3A = tpu.memref_slice %arg2[%mul3A_2] : memref<100352xi32, #tpu.memory_space<hbm>> -> memref<3136xi32, #tpu.memory_space<hbm>>
      %dma_wait3A_8 = tpu.memref_slice %arg2[%mul3A_2] : memref<100352xi32, #tpu.memory_space<hbm>> -> memref<3136xi32, #tpu.memory_space<hbm>>
      tpu.wait_dma2 semaphore(%run_scoped3A : memref<!tpu.dma_semaphore, #tpu.memory_space<semaphore_mem>>) src(%dma_wait3A_8 : memref<3136xi32, #tpu.memory_space<hbm>>) dst(%arg7 : memref<3136xi32, #tpu.memory_space<vmem>>)
      tpu.yield
    }) : () -> ()
    "tpu.region"() ({
      %run_scoped3A = tpu.sem_alloc : memref<!tpu.dma_semaphore, #tpu.memory_space<semaphore_mem>>
      %dma_start3A = tpu.memref_slice %arg3[%mul3A_2] : memref<100352xi32, #tpu.memory_space<hbm>> -> memref<3136xi32, #tpu.memory_space<hbm>>
      %dma_start3A_7 = tpu.memref_slice %arg3[%mul3A_2] : memref<100352xi32, #tpu.memory_space<hbm>> -> memref<3136xi32, #tpu.memory_space<hbm>>
      tpu.enqueue_dma source(%dma_start3A_7 : memref<3136xi32, #tpu.memory_space<hbm>>) target(%arg8 : memref<3136xi32, #tpu.memory_space<vmem>>) target_semaphore(%run_scoped3A : memref<!tpu.dma_semaphore, #tpu.memory_space<semaphore_mem>>)
      %dma_wait3A = tpu.memref_slice %arg3[%mul3A_2] : memref<100352xi32, #tpu.memory_space<hbm>> -> memref<3136xi32, #tpu.memory_space<hbm>>
      %dma_wait3A_8 = tpu.memref_slice %arg3[%mul3A_2] : memref<100352xi32, #tpu.memory_space<hbm>> -> memref<3136xi32, #tpu.memory_space<hbm>>
      tpu.wait_dma2 semaphore(%run_scoped3A : memref<!tpu.dma_semaphore, #tpu.memory_space<semaphore_mem>>) src(%dma_wait3A_8 : memref<3136xi32, #tpu.memory_space<hbm>>) dst(%arg8 : memref<3136xi32, #tpu.memory_space<vmem>>)
      tpu.yield
    }) : () -> ()
    "tpu.region"() ({
      %run_scoped3A = tpu.sem_alloc : memref<!tpu.dma_semaphore, #tpu.memory_space<semaphore_mem>>
      %dma_start3A = tpu.memref_slice %arg4[%mul3A_2] : memref<100352xi32, #tpu.memory_space<hbm>> -> memref<3136xi32, #tpu.memory_space<hbm>>
      %dma_start3A_7 = tpu.memref_slice %arg4[%mul3A_2] : memref<100352xi32, #tpu.memory_space<hbm>> -> memref<3136xi32, #tpu.memory_space<hbm>>
      tpu.enqueue_dma source(%dma_start3A_7 : memref<3136xi32, #tpu.memory_space<hbm>>) target(%arg9 : memref<3136xi32, #tpu.memory_space<vmem>>) target_semaphore(%run_scoped3A : memref<!tpu.dma_semaphore, #tpu.memory_space<semaphore_mem>>)
      %dma_wait3A = tpu.memref_slice %arg4[%mul3A_2] : memref<100352xi32, #tpu.memory_space<hbm>> -> memref<3136xi32, #tpu.memory_space<hbm>>
      %dma_wait3A_8 = tpu.memref_slice %arg4[%mul3A_2] : memref<100352xi32, #tpu.memory_space<hbm>> -> memref<3136xi32, #tpu.memory_space<hbm>>
      tpu.wait_dma2 semaphore(%run_scoped3A : memref<!tpu.dma_semaphore, #tpu.memory_space<semaphore_mem>>) src(%dma_wait3A_8 : memref<3136xi32, #tpu.memory_space<hbm>>) dst(%arg9 : memref<3136xi32, #tpu.memory_space<vmem>>)
      tpu.yield
    }) : () -> ()
    %scan3A = arith.constant 0 : i32
    %scan3A_3 = arith.constant 196 : i32
    %scan3A_4 = arith.addi %scan3A, %scan3A_3 : i32
    %scan3A_5 = arith.constant 1 : i32
    scf.for %scan3A_7 = %scan3A to %scan3A_4 step %scan3A_5  : i32 {
      %mul3A_8 = arith.constant 1 : i32
      %mul3A_9 = arith.muli %scan3A_7, %mul3A_8 : i32
      %add3A_10 = arith.constant 0 : i32
      %add3A_11 = arith.addi %add3A_10, %mul3A_9 : i32
      %mul3A_12 = arith.constant 16 : i32
      %mul3A_13 = arith.muli %add3A_11, %mul3A_12 : i32
      %get3A = arith.index_cast %mul3A_13 : i32 to index
      %get3A_14 = tpu.vector_load %arg7[%get3A] {strides = array<i32>} : memref<3136xi32, #tpu.memory_space<vmem>>, vector<16xi32>,
      %get3A_15 = arith.index_cast %mul3A_13 : i32 to index
      %get3A_16 = tpu.vector_load %arg8[%get3A_15] {strides = array<i32>} : memref<3136xi32, #tpu.memory_space<vmem>>, vector<16xi32>,
      %get3A_17 = arith.index_cast %mul3A_13 : i32 to index
      %get3A_18 = tpu.vector_load %arg9[%get3A_17] {strides = array<i32>} : memref<3136xi32, #tpu.memory_space<vmem>>, vector<16xi32>,
      %mul3A_19 = arith.constant 100 : i32
      %mul3A_20 = vector.broadcast %mul3A_19 : i32 to vector<16xi32>
      %mul3A_21 = arith.muli %get3A_16, %mul3A_20 : vector<16xi32>
      %add3A_22 = arith.addi %mul3A_21, %get3A_14 : vector<16xi32>
      %gather3A = tpu.vector_load_idx %arg10[%add3A_22] : memref<200xf32, #tpu.memory_space<vmem>>[vector<16xi32>], vector<16xf32>,
      %mul3A_23 = arith.constant 0x49800000 : f32
      %mul3A_24 = vector.broadcast %mul3A_23 : f32 to vector<16xf32>
      %mul3A_25 = arith.mulf %gather3A, %mul3A_24 : vector<16xf32>
      %add3A_26 = arith.constant 5.000000e-01 : f32
      %add3A_27 = vector.broadcast %add3A_26 : f32 to vector<16xf32>
      %add3A_28 = arith.addf %mul3A_25, %add3A_27 : vector<16xf32>
      %convert_element_type3A = arith.fptosi %add3A_28 : vector<16xf32> to vector<16xi32>
      %shift_left3A = arith.constant 10 : i32
      %shift_left3A_29 = vector.broadcast %shift_left3A : i32 to vector<16xi32>
      %shift_left3A_30 = arith.shli %convert_element_type3A, %shift_left3A_29 : vector<16xi32>
      %or3A = arith.ori %shift_left3A_30, %get3A_18 : vector<16xi32>
      %swap3A = arith.index_cast %mul3A_13 : i32 to index
      %swap3A_31 = tpu.vector_load %arg11[%swap3A] {strides = array<i32>} : memref<3136xi32, #tpu.memory_space<vmem>>, vector<16xi32>,
      tpu.vector_store %arg11[%swap3A], %or3A {strides = array<i32>} : memref<3136xi32, #tpu.memory_space<vmem>>, vector<16xi32>,
    }
    %scan3A_6 = arith.constant 196 : i32
    "tpu.region"() ({
      %run_scoped3A = tpu.sem_alloc : memref<!tpu.dma_semaphore, #tpu.memory_space<semaphore_mem>>
      %dma_start3A = tpu.memref_slice %arg6[%mul3A_2] : memref<100352xi32, #tpu.memory_space<hbm>> -> memref<3136xi32, #tpu.memory_space<hbm>>
      %dma_start3A_7 = tpu.memref_slice %arg6[%mul3A_2] : memref<100352xi32, #tpu.memory_space<hbm>> -> memref<3136xi32, #tpu.memory_space<hbm>>
      tpu.enqueue_dma source(%arg11 : memref<3136xi32, #tpu.memory_space<vmem>>) target(%dma_start3A_7 : memref<3136xi32, #tpu.memory_space<hbm>>) target_semaphore(%run_scoped3A : memref<!tpu.dma_semaphore, #tpu.memory_space<semaphore_mem>>)
      %dma_wait3A = tpu.memref_slice %arg6[%mul3A_2] : memref<100352xi32, #tpu.memory_space<hbm>> -> memref<3136xi32, #tpu.memory_space<hbm>>
      %dma_wait3A_8 = tpu.memref_slice %arg6[%mul3A_2] : memref<100352xi32, #tpu.memory_space<hbm>> -> memref<3136xi32, #tpu.memory_space<hbm>>
      tpu.wait_dma2 semaphore(%run_scoped3A : memref<!tpu.dma_semaphore, #tpu.memory_space<semaphore_mem>>) src(%arg11 : memref<3136xi32, #tpu.memory_space<vmem>>) dst(%dma_wait3A_8 : memref<3136xi32, #tpu.memory_space<hbm>>)
      tpu.yield
    }) : () -> ()
    return
  }
}

module attributes {stable_mosaic.version = 14 : i64} {
  func.func @_d2_body(%arg0: i32, %arg1: memref<3x640000xf32, #tpu.memory_space<vmem>>, %arg2: memref<640000xf32, #tpu.memory_space<vmem>>) attributes {dimension_semantics = [#tpu.dimension_semantics<arbitrary>], iteration_bounds = array<i64: 10>, scalar_prefetch = 0 : i64, scratch_operands = 0 : i64, tpu.core_type = #tpu.core_type<tc>, window_params = [{transform_indices = @transform_0, window_bounds = array<i64: 3, 640000>}, {transform_indices = @transform_1, window_bounds = array<i64: 640000>}]} {
    %get3A = arith.constant 0 : index
    %get3A_0 = arith.constant 0 : index
    %get3A_1 = vector.load %arg1[%get3A, %get3A_0] : memref<3x640000xf32, #tpu.memory_space<vmem>>, vector<3x640000xf32>
    %mul3A = arith.mulf %get3A_1, %get3A_1 : vector<3x640000xf32>
    %slice3A = vector.extract_strided_slice %mul3A {offsets = [0, 0], sizes = [1, 640000], strides = [1, 1]} : vector<3x640000xf32> to vector<1x640000xf32>
    %squeeze3A = vector.shape_cast %slice3A : vector<1x640000xf32> to vector<640000xf32>
    %slice3A_2 = vector.extract_strided_slice %mul3A {offsets = [1, 0], sizes = [1, 640000], strides = [1, 1]} : vector<3x640000xf32> to vector<1x640000xf32>
    %squeeze3A_3 = vector.shape_cast %slice3A_2 : vector<1x640000xf32> to vector<640000xf32>
    %add3A = arith.addf %squeeze3A, %squeeze3A_3 : vector<640000xf32>
    %slice3A_4 = vector.extract_strided_slice %mul3A {offsets = [2, 0], sizes = [1, 640000], strides = [1, 1]} : vector<3x640000xf32> to vector<1x640000xf32>
    %squeeze3A_5 = vector.shape_cast %slice3A_4 : vector<1x640000xf32> to vector<640000xf32>
    %add3A_6 = arith.addf %add3A, %squeeze3A_5 : vector<640000xf32>
    %swap3A = arith.constant 0 : index
    %swap3A_7 = vector.load %arg2[%swap3A] : memref<640000xf32, #tpu.memory_space<vmem>>, vector<640000xf32>
    tpu.vector_store %arg2[%swap3A], %add3A_6 {strides = array<i32>} : memref<640000xf32, #tpu.memory_space<vmem>>, vector<640000xf32>,
    return
  }
  func.func @transform_0(%arg0: i32) -> (i32, i32) {
    %c0_i32 = arith.constant 0 : i32
    %c0_i32_0 = arith.constant 0 : i32
    return %c0_i32, %arg0 : i32, i32
  }
  func.func @transform_1(%arg0: i32) -> i32 {
    %c0_i32 = arith.constant 0 : i32
    return %arg0 : i32
  }
}

module attributes {stable_mosaic.version = 14 : i64} {
  func.func @_reduce_body(%arg0: memref<32x1024xf32, #tpu.memory_space<vmem>>, %arg1: memref<1024xf32, #tpu.memory_space<vmem>>) attributes {dimension_semantics = [], scalar_prefetch = 0 : i64, scratch_operands = 0 : i64, tpu.core_type = #tpu.core_type<tc>} {
    %get3A = arith.constant 0 : index
    %get3A_0 = arith.constant 0 : index
    %get3A_1 = vector.load %arg0[%get3A, %get3A_0] : memref<32x1024xf32, #tpu.memory_space<vmem>>, vector<32x1024xf32>
    %reduce_sum3A = arith.constant dense<0.000000e+00> : vector<1024xf32>
    %reduce_sum3A_2 = vector.multi_reduction <add>, %get3A_1, %reduce_sum3A [0] : vector<32x1024xf32> to vector<1024xf32>
    %swap3A = arith.constant 0 : index
    %swap3A_3 = vector.load %arg1[%swap3A] : memref<1024xf32, #tpu.memory_space<vmem>>, vector<1024xf32>
    tpu.vector_store %arg1[%swap3A], %reduce_sum3A_2 {strides = array<i32>} : memref<1024xf32, #tpu.memory_space<vmem>>, vector<1024xf32>,
    return
  }
}

</mosaic_0001>

<sc_bundles>
// kernel: kernel.6.cloned.1.call-start
scs
__scs_entry_jumppad:
0x0: {  	(pc) =	sbr.rel $0x88, $3  }
0x1: {  	(tag) =	ssettag $0x0;
	lr =	simm.s32 $0x1  }
0x2: {  	[smem:$0x3F9A] =	sst lr;
	_ =	strace $0xD0000000  }
0x3: {  	_ = 	snop  }
0x4: {  	_ = 	snop  }
0x5: {  	_ = 	snop  }
0x6: {  	_ = 	snop  }
0x7: {  	_ = 	snop  }
__scs_overlays_trampoline_lowered:
0x8: {  	[smem:$0x3FA9] =	sst s0  }
0x9: {  	[smem:$0x3FAA] =	sst s1  }
0xa: {  	[smem:$0x3FAB] =	sst s2  }
0xb: {  	[smem:$0x3FAC] =	sst s3  }
0xc: {  	[smem:$0x3FAD] =	sst s4  }
0xd: {  	[smem:$0x3FAE] =	sst s5  }
0xe: {  	[smem:$0x3FAF] =	sst s6  }
0xf: {  	[smem:$0x3FB0] =	sst s7  }
0x10: {  	[smem:$0x3FB1] =	sst s8  }
0x11: {  	[smem:$0x3FB2] =	sst s9;
	s0 =	simm.s32 @!p0 $0x0  }
0x12: {  	s1 =	sld [smem:$0x3F98];
	s0 =	simm.s32 @p0 $0x1  }
0x13: {  	[smem:$0x3FB3] =	sst s0;
	s0 =	simm.s32 @!p1 $0x0  }
0x14: {  	s2 =	sld [smem:$0x3F97];
	s0 =	simm.s32 @p1 $0x1  }
0x15: {  	[smem:$0x3FB4] =	sst s0;
	s0 =	simm.s32 @!p2 $0x0  }
0x16: {  	s3 =	sld [smem:$0x3FDB];
	s0 =	simm.s32 @p2 $0x1  }
0x17: {  	s4 =	simm.s32 $0x1BF5;
	[smem:$0x3FB6] =	sst s0  }
0x18: {  	s0 =	sld [smem:$0x3F99];
	_ =	swait.ge [sflag:s4], $0x0  }
0x19: {  	s7 =	sld [smem:$0x3F9A]  }
0x1a: {  	s8 =	sadd.s32 $0xFFFFE003, lr  }
0x1b: {  	s9 =	sadd.s32 $0xFFFFFEF7, lr;
	s5 =	simm.s32 $0xFFFFFFFF;
	p2 =	slt.u32 s8, $0xFFFFF086  }
0x1c: {  	p1 =	slt.u32 s9, $0xF7A;
	s5 =	simm.s32 @!p2 $0x0  }
0x1d: {  	s5 =	simm.s32 @p1 $0x1;
	p0 =	seq.s32 s7, s2  }
0x1e: {  	s7 =	smul.u32 @!p0 $0xF7A, s2;
	p2 =	seq.s32 @!p0 s5, $0x0  }
0x1f: {  	s9 =	smul.u32 $0xF7A, s1;
	s8 =	simm.s32 @!p0 $0x1BF5;
	p2 =	por !p2, p0  }
0x20: {  	[sflag:s8] =	ssyncset.s32 @!p0 $0xFFFFF086;
	s6 =	sadd.s32 @!p0 s3, s7;
	s7 =	simm.s32 @!p0 $0x108  }
0x21: {  	s3 =	sadd.s32 s3, s9;
	s6 =	sadd.s32 @!p0 $0x88, s6;
	s7 =	simm.s32 @p2 $0x1082  }
0x22: {  	[simem:s7], [sflag:s8] =	dma.local @!p0 [hbm:s6], $0xF7A  }
0x23: {  	s9 =	sor.u32 $0xD0000000, s2;
	s6 =	simm.s32 $0x108;
	_ =	swait.ge @!p0 [sflag:s8], $0x0  }
0x24: {  	s3 =	sadd.s32 $0x88, s3;
	s6 =	simm.s32 @!p1 $0x1082;
	[sflag:s4] =	ssyncset.s32 $0xFFFFF086  }
0x25: {  	[simem:s6], [sflag:s4] =	dma.local [hbm:s3], $0xF7A  }
0x26: {  	[smem:$0x3F9A] =	sst s1;
	(tag) =	ssettag s2;
	_ =	strace s9  }
0x27: {  	s1 =	sld [smem:$0x3FAA]  }
0x28: {  	s2 =	sld [smem:$0x3FAB]  }
0x29: {  	s4 =	sld [smem:$0x3FAD]  }
0x2a: {  	p0 =	seq.s32 s5, $0x0;
	s5 =	sld [smem:$0x3FAE]  }
0x2b: {  	s6 =	sld [smem:$0x3FAF]  }
0x2c: {  	s7 =	sld [smem:$0x3FB0]  }
0x2d: {  	s3 =	simm.s32 $0x108;
	s8 =	sld [smem:$0x3FB1]  }
0x2e: {  	s3 =	simm.s32 @!p0 $0x1082;
	s9 =	sld [smem:$0x3FB2]  }
0x2f: {  	lr =	sadd.s32 s0, s3;
	s0 =	sld [smem:$0x3FA9]  }
0x30: {  	s3 =	sld [smem:$0x3FAC]  }
0x31: {  	[smem:$0x3FB5] =	sst s10  }
0x32: {  	s10 =	sld [smem:$0x3FB3];
	_ =	sdelay $0x3  }
0x33: {  	p0 =	seq.s32 s10, $0x1;
	s10 =	sld [smem:$0x3FB5];
	_ =	sdelay $0x3  }
0x34: {  	[smem:$0x3FB5] =	sst s10  }
0x35: {  	s10 =	sld [smem:$0x3FB4];
	_ =	sdelay $0x3  }
0x36: {  	p1 =	seq.s32 s10, $0x1;
	s10 =	sld [smem:$0x3FB5];
	_ =	sdelay $0x3  }
0x37: {  	[smem:$0x3FB5] =	sst s10  }
0x38: {  	s10 =	sld [smem:$0x3FB6]  }
0x39: {  	_ = 	snop;
	(pc) =	sbr.ind lr, $3  }
0x3a: {  	_ = 	snop  }
0x3b: {  	_ = 	snop  }
0x3c: {  	p2 =	seq.s32 s10, $0x1;
	s10 =	sld [smem:$0x3FB5]  }
0x3d: {  	_ =	shalt  }
0x3e: {  	_ =	shalt  }
0x3f: {  	_ =	shalt  }
0x40: {  	_ =	shalt  }
0x41: {  	_ =	shalt  }
0x42: {  	_ =	shalt  }
0x43: {  	_ =	shalt  }
0x44: {  	_ =	shalt  }
0x45: {  	_ =	shalt  }
0x46: {  	_ =	shalt  }
0x47: {  	_ =	shalt  }
0x48: {  	_ =	shalt  }
0x49: {  	_ =	shalt  }
0x4a: {  	_ =	shalt  }
0x4b: {  	_ =	shalt  }
0x4c: {  	_ =	shalt  }
0x4d: {  	_ =	shalt  }
0x4e: {  	_ =	shalt  }
0x4f: {  	_ =	shalt  }
0x50: {  	_ =	shalt  }
0x51: {  	_ =	shalt  }
0x52: {  	_ =	shalt  }
0x53: {  	_ =	shalt  }
0x54: {  	_ =	shalt  }
0x55: {  	_ =	shalt  }
0x56: {  	_ =	shalt  }
0x57: {  	_ =	shalt  }
0x58: {  	_ =	shalt  }
0x59: {  	_ =	shalt  }
0x5a: {  	_ =	shalt  }
0x5b: {  	_ =	shalt  }
0x5c: {  	_ =	shalt  }
0x5d: {  	_ =	shalt  }
0x5e: {  	_ =	shalt  }
0x5f: {  	_ =	shalt  }
0x60: {  	_ =	shalt  }
0x61: {  	_ =	shalt  }
0x62: {  	_ =	shalt  }
0x63: {  	_ =	shalt  }
0x64: {  	_ =	shalt  }
0x65: {  	_ =	shalt  }
0x66: {  	_ =	shalt  }
0x67: {  	_ =	shalt  }
0x68: {  	_ =	shalt  }
0x69: {  	_ =	shalt  }
0x6a: {  	_ =	shalt  }
0x6b: {  	_ =	shalt  }
0x6c: {  	_ =	shalt  }
0x6d: {  	_ =	shalt  }
0x6e: {  	_ =	shalt  }
0x6f: {  	_ =	shalt  }
0x70: {  	_ =	shalt  }
0x71: {  	_ =	shalt  }
0x72: {  	_ =	shalt  }
0x73: {  	_ =	shalt  }
0x74: {  	_ =	shalt  }
0x75: {  	_ =	shalt  }
0x76: {  	_ =	shalt  }
0x77: {  	_ =	shalt  }
0x78: {  	_ =	shalt  }
0x79: {  	_ =	shalt  }
0x7a: {  	_ =	shalt  }
0x7b: {  	_ =	shalt  }
0x7c: {  	_ =	shalt  }
0x7d: {  	_ =	shalt  }
0x7e: {  	_ =	shalt  }
0x7f: {  	_ =	shalt  }
0x80: {  	_ =	shalt  }
0x81: {  	_ =	shalt  }
0x82: {  	_ =	shalt  }
0x83: {  	_ =	shalt  }
0x84: {  	_ =	shalt  }
0x85: {  	_ =	shalt  }
0x86: {  	_ =	shalt  }
0x87: {  	_ =	shalt  }
.Lfunc_end0:
.L_simem_size_0:
called_computation_lowered:
.L_overlay_start_0:
0x88: {  	s2 =	sld [smem:$0x3FD9]  }
0x89: {  	s3 =	sld [smem:$0x3FFE];
	_ =	sdelay $0x1  }
0x8a: {  	s1 =	srdreg.scid  }
0x8b: {  	s0 =	sand.u32 $0x1, s1  }
0x8c: {  	s17 =	sshll.u32 s0, $0xA;
	s2 =	sadd.s32 s3, s2  }
0x8d: {  	s2 =	sadd.s32 s2, s17  }
0x8e: {  	[smem:$0x3FC1] =	sst s2  }
0x8f: {  	_ = 	snop  }
0x90: {  	s2 =	sld [smem:$0x3FD0];
	(tm) =	ssettm $0x1  }
0x91: {  	s18 =	sld [smem:$0x3FFB];
	_ =	sdelay $0x3  }
0x92: {  	_ =	strace s18  }
0x93: {  	s3 =	sld [smem:$0x3FFC];
	_ =	sdelay $0x3  }
0x94: {  	_ =	strace s3  }
0x95: {  	s3 =	sld [smem:$0x3FFD];
	_ =	sdelay $0x3  }
0x96: {  	_ =	strace s3  }
0x97: {  	_ =	strace $0x8FFFFFFF  }
0x98: {  	s19 =	sld [smem:$0x3FDB];
	_ =	sdelay $0x1  }
0x99: {  	s4 =	simm.s32 $_scs_section_size  }
0x9a: {  	s5 =	simm.s32 $_size__tile_overlayer_lowered;
	s6 =	simm.s32 $_tile_overlayer_lowered  }
0x9b: {  	s22 =	simm.s32 $0x1BFF;
	s21 =	sshll.u32 s6, $0x1;
	s3 =	sadd.s32 s4, s19  }
0x9c: {  	s7 =	simm.s32 $0x0;
	s20 =	sshll.u32 s5, $0x1;
	s5 =	sadd.s32 s21, s3  }
0x9d: {  	[timem:s7], [sflag:s22] =	dma.local [hbm:s5], s20  }
0x9e: {  	_ =	swait.ge [sflag:s22], s20  }
0x9f: {  	s4 =	ssub.s32 $0x0, s20;
	[sflag:s22] =	ssyncset.done $0x0  }
0xa0: {  	[sflag:s22] =	ssyncadd.s32 s4;
	_ =	sdelay $0x1  }
0xa1: {  	s23 =	simm.s32 $0x1B8B  }
0xa2: {  	_ =	swait.ge [sflag:s23], $0x1  }
0xa3: {  	[sflag:s23] =	ssyncset.done $0x0  }
0xa4: {  	s25 =	simm.s32 $0x1B8E;
	s24 =	sld [smem:$0x3FFE];
	[sflag:s23] =	ssyncadd.s32 $0xFFFFFFFF  }
0xa5: {  	s26 =	simm.s32 $execute0_lowered;
	[smem:$0x3FD2] =	sst s25  }
0xa6: {  	s5 =	sshll.u32 s26, $0x1;
	_ =	strace $0x80000046;
	[dreg:$0x1] =	wrdreg $0xFFFFFFFF  }
0xa7: {  	s28 =	simm.s32 $_size_execute0_lowered;
	s3 =	sadd.s32 s3, s5;
	[dreg:$0x0] =	wrdreg $0x0  }
0xa8: {  	s5 =	sshll.u32 s28, $0x1;
	[dreg:$0x2] =	wrdreg s3  }
0xa9: {  	[dreg:$0x3] =	wrdreg s5  }
0xaa: {  	[dreg:$0x4] =	wrdreg $0xC0  }
0xab: {  	_ =	task [dreg:s7], $0x5FFFF  }
0xac: {  	[dreg:$0x1] =	wrdreg $0xFFFFFFFF  }
0xad: {  	[dreg:$0x0] =	wrdreg $0x60  }
0xae: {  	[dreg:$0x2] =	wrdreg s24  }
0xaf: {  	[dreg:$0x3] =	wrdreg s2  }
0xb0: {  	[dreg:$0x4] =	wrdreg $0x9  }
0xb1: {  	_ =	task.clear_ibuf [dreg:s7], $0x5FFFF;
	_ =	strace $0x90000046  }
0xb2: {  	s29 =	simm.s32 $0x9;
	_ =	strace $0x80000048  }
0xb3: {  	_ =	swait.ge [sflag:s29], $0x1  }
0xb4: {  	[sflag:s29] =	ssyncadd.s32 $0xFFFFFFFF  }
0xb5: {  	_ =	strace $0x90000048  }
0xb6: {  	_ =	sfence  }
0xb7: {  	s30 =	sld [smem:$0x0];
	_ =	sdelay $0x2  }
0xb8: {  	s31 =	sshll.u32 s1, $0xD;
	s1 =	sshrl.u32 s1, $0x2  }
0xb9: {  	s3 =	sand.u32 $0x4000, s31;
	s1 =	sadd.s32 s1, s30  }
0xba: {  	s0 =	sor.u32 s3, s0;
	s1 =	sshll.u32 s1, $0x11  }
0xbb: {  	s0 =	sor.u32 s1, s0  }
0xbc: {  	s0 =	sadd.s32 $0x8F2B, s0  }
0xbd: {  	[sflag:s0] =	ssyncadd.remote.s32 $0x1  }
0xbe: {  	_ =	sfence.sel $0xFFFF  }
0xbf: {  	[dreg:$0x0] =	wrdreg $0xFFFFFFFF;
	(pc) =	sbr.abs _section_cstart, $3  }
0xc0: {  	[dreg:$0x1] =	wrdreg $0xFFFFFFFF  }
0xc1: {  	_ =	task.clear_ibuf [dreg:s7], $0x2FFFF;
	_ =	strace $0x9FFFFFFF  }
0xc2: {  	(tm) =	ssettm $0x7FFFFFFF  }
0xc3: {  	_ =	shalt  }
tec
execute0_lowered:
.L_overlay_start_1:
0x0: {  	(tag) =	ssettag $0x1  }
0x1: {  	s1 =	srdreg.scid  }
0x2: {  	s0 =	stileid.u32;
	s4 =	rddreg [dreg:$0x0]  }
0x3: {  	s2 =	rddreg [dreg:$0x1];
	s3 =	simm.s32 $0x0;
	s9 =	simm.s32 $0x2580  }
0x4: {  	s10 =	simm.s32 $0x1;
	s5 =	sand.u32 $0x1, s1;
	s30 =	sshll.u32 s0, $0x1  }
0x5: {  	s11 =	simm.s32 $0xC80;
	s12 =	simm.s32 $0x1900;
	s6 =	sor.u32 s5, s30  }
0x6: {  	s13 =	simm.s32 $0x2680;
	s5 =	ssub.s32 $0x2, s5;
	s6 =	smul.u32 $0x188, s6  }
0x7: {  	s14 =	simm.s32 $0x0;
	s1 =	rddreg [dreg:$0x2];
	s31 =	sshrl.u32 s5, $0x1  }
0x8: {  	[smem:$0x7FF] =	sst s3;
	s8 =	ssub.s32 s5, s31;
	s7 =	sadd.s32 s6, s4  }
0x9: {  	_ =	strace $0x80000047;
	s8 =	smax.u32 s8, $0x1;
	s4 =	sadd.s32 $0xA00, s7  }
0xa: {  	s5 =	sadd.s32 $0x6E00, s7;
	s6 =	sadd.s32 $0x3C00, s7;
	s7 =	sadd.s32 $0xA000, s7  }
.LBB2_1:
0xb: {  	[tilespmem:s9], [sflag:$0x1] =	stream.linear.gather [hbm4b:s2+s3], $0x100, $0x38;
	[tilespmem:$0x3300] =	vst v63  }
0xc: {  	_ =	swait.ge [sflag:s10], $0x100  }
0xd: {  	[sflag:s10] =	ssyncset.done $0x0  }
0xe: {  	[sflag:s10] =	ssyncadd.s32 $0xFFFFFF00  }
0xf: {  	[tilespmem:s3], [sflag:$0x1] =	stream.linear.gather [hbm4b:s4+s3], $0xC40, $0x38;
	[tilespmem:$0x3300] =	vst v63  }
0x10: {  	_ =	swait.ge [sflag:s10], $0xC40  }
0x11: {  	[sflag:s10] =	ssyncset.done $0x0  }
0x12: {  	[sflag:s10] =	ssyncadd.s32 $0xFFFFF3C0  }
0x13: {  	[tilespmem:s11], [sflag:$0x1] =	stream.linear.gather [hbm4b:s5+s3], $0xC40, $0x38;
	[tilespmem:$0x3300] =	vst v63  }
0x14: {  	_ =	swait.ge [sflag:s10], $0xC40  }
0x15: {  	[sflag:s10] =	ssyncset.done $0x0  }
0x16: {  	[sflag:s10] =	ssyncadd.s32 $0xFFFFF3C0  }
0x17: {  	[tilespmem:s12], [sflag:$0x1] =	stream.linear.gather [hbm4b:s6+s3], $0xC40, $0x38;
	[tilespmem:$0x3300] =	vst v63  }
0x18: {  	_ =	swait.ge [sflag:s10], $0xC40  }
0x19: {  	[sflag:s10] =	ssyncset.done $0x0  }
0x1a: {  	s15 =	simm.s32 $0x0;
	[sflag:s10] =	ssyncadd.s32 $0xFFFFF3C0  }
0x1b: {  	v0 =	vld [tilespmem:s15+$0xC80];
	_ =	sdelay $0x1  }
0x1c: {  	v1 =	vld [tilespmem:s15+$0x0];
	_ =	sdelay $0x2  }
0x1d: {  	v0 =	vmul.u32 $0x64, v0;
	_ =	sdelay $0x1  }
0x1e: {  	v0 =	vadd.s32 v1, v0;
	_ =	sdelay $0x4  }
0x1f: {  	v0 =	vld.idx.msk [tilespmem:v0+s9+$0x0], $0xffff;
	_ =	sdelay $0x1  }
0x20: {  	s16 =	simm.s32 $0x10;
	s17 =	simm.s32 $0x80  }
.LBB2_2:
0x21: {  	p0 =	sne.s32 s17, $0x30C0;
	v1 =	vld [tilespmem:s16+$0xC80];
	_ =	sdelay $0x1  }
0x22: {  	v0 =	vmul.f32 $1.048576000e+06, v0;
	v2 =	vld [tilespmem:s16+$0x0];
	_ =	sdelay $0x1  }
0x23: {  	v0 =	vadd.f32 $5.000000000e-01, v0  }
0x24: {  	v1 =	vmul.u32 $0x64, v1;
	v3 =	vld [tilespmem:s15+$0x1900]  }
0x25: {  	v0 =	vtrunc.f32 v0  }
0x26: {  	v0 =	vcvt.f32.s32 v0;
	v1 =	vadd.s32 v2, v1;
	_ =	sdelay $0x1  }
0x27: {  	v0 =	vshll.u32 v0, $0xA  }
0x28: {  	v0 =	vor.u32 v3, v0  }
.Ltmp0:
0x29: {  	[tilespmem:s15+$0x2680] =	vst v0;
	s15 =	smov.u32 s16;
	(pc) =	sbr.rel @p0 .LBB2_2-.Ltmp0, $2  }
0x2a: {  	v0 =	vld.idx.msk [tilespmem:v1+s9+$0x0], $0xffff;
	_ =	sdelay $0x2  }
0x2b: {  	s16 =	sshra.s32 s17, $0x2;
	s17 =	sadd.s32 $0x40, s17  }
0x2c: {  	v1 =	vld [tilespmem:s16+$0xC80];
	_ =	sdelay $0x1  }
0x2d: {  	v2 =	vld [tilespmem:s16+$0x0];
	v0 =	vmul.f32 $1.048576000e+06, v0;
	_ =	sdelay $0x1  }
0x2e: {  	v0 =	vadd.f32 $5.000000000e-01, v0  }
0x2f: {  	v3 =	vld [tilespmem:s15+$0x1900];
	v1 =	vmul.u32 $0x64, v1  }
0x30: {  	v0 =	vtrunc.f32 v0  }
0x31: {  	v0 =	vcvt.f32.s32 v0;
	v1 =	vadd.s32 v2, v1;
	_ =	sdelay $0x1  }
0x32: {  	v0 =	vshll.u32 v0, $0xA  }
0x33: {  	v0 =	vor.u32 v3, v0  }
0x34: {  	[tilespmem:s15+$0x2680] =	vst v0  }
0x35: {  	v0 =	vld.idx.msk [tilespmem:v1+s9+$0x0], $0xffff;
	_ =	sdelay $0x4  }
0x36: {  	v0 =	vmul.f32 $1.048576000e+06, v0;
	_ =	sdelay $0x1  }
0x37: {  	v0 =	vadd.f32 $5.000000000e-01, v0  }
0x38: {  	v63 =	vld [tilespmem:s16+$0x1900]  }
0x39: {  	v0 =	vtrunc.f32 v0  }
0x3a: {  	v0 =	vcvt.f32.s32 v0;
	_ =	sdelay $0x1  }
0x3b: {  	s14 =	sadd.s32 $0x1, s14;
	v0 =	vshll.u32 v0, $0xA  }
0x3c: {  	p0 =	sne.s32 s14, s8;
	v0 =	vor.u32 v63, v0  }
.Ltmp1:
0x3d: {  	[tilespmem:s16+$0x2680] =	vst v0;
	(pc) =	sbr.rel @p0 .LBB2_1-.Ltmp1, $4  }
0x3e: {  	[hbm4b:s7+s3] =	stream.linear.scatter [tilespmem:s13], [sflag:$0x1], $0xC40, $0x38;
	[tilespmem:$0x3300] =	vst v63  }
0x3f: {  	_ =	swait.ge [sflag:s10], $0xC40  }
0x40: {  	[sflag:s10] =	ssyncset.done $0x0  }
0x41: {  	[sflag:s10] =	ssyncadd.s32 $0xFFFFF3C0  }
0x42: {  	_ =	sfence.sel $0x180000  }
0x43: {  	[bflag:$0x0] =	sbarrier.arrive $0xFFFF  }
0x44: {  	p0 =	sne.s32 s0, $0x0;
	_ =	strace $0x90000047  }
0x45: {  	s0 =	sadd.s32 @!p0 $0x100000, s1;
	[bflag:$0x2] =	sbarrier.arrive $0xFFFF  }
0x46: {  	[sflag:s0] =	ssyncadd.tile.s32 @!p0 $0x1;
	_ =	shalt  }
.Lfunc_end2:
_tile_overlayer_lowered:
.L_overlay_start_2:
0x47: {  	(tag) =	ssettag $0x2  }
0x48: {  	s0 =	rddreg [dreg:$0x0];
	s2 =	stileid.u32  }
0x49: {  	s1 =	rddreg [dreg:$0x1];
	p0 =	sne.s32 s2, $0x0  }
0x4a: {  	s3 =	rddreg [dreg:$0x2];
	[bflag:$0x3] =	sbarrier.arrive $0xFFFF;
	s2 =	simm.s32 @!p0 $0x1C01  }
0x4b: {  	[timem:s3], [sflag:s2] =	dma.local @!p0 [hbm:s0], s1  }
0x4c: {  	s0 =	simm.s32 @!p0 $0x1  }
0x4d: {  	_ =	swait.ge @!p0 [sflag:s0], s1  }
0x4e: {  	s1 =	ssub.s32 @!p0 $0x0, s1;
	[sflag:s0] =	ssyncset.done @!p0 $0x0  }
0x4f: {  	[sflag:s0] =	ssyncadd.s32 @!p0 s1  }
0x50: {  	[bflag:$0x3] =	sbarrier.arrive $0xFFFF  }
0x51: {  	_ =	shalt  }

// kernel: kernel.9.cloned.1.call-start
scs
__scs_entry_jumppad:
0x0: {  	(pc) =	sbr.rel $0x88, $3  }
0x1: {  	(tag) =	ssettag $0x0;
	lr =	simm.s32 $0x1  }
0x2: {  	[smem:$0x3F9A] =	sst lr;
	_ =	strace $0xD0000000  }
0x3: {  	_ = 	snop  }
0x4: {  	_ = 	snop  }
0x5: {  	_ = 	snop  }
0x6: {  	_ = 	snop  }
0x7: {  	_ = 	snop  }
__scs_overlays_trampoline_lowered:
0x8: {  	[smem:$0x3FA9] =	sst s0  }
0x9: {  	[smem:$0x3FAA] =	sst s1  }
0xa: {  	[smem:$0x3FAB] =	sst s2  }
0xb: {  	[smem:$0x3FAC] =	sst s3  }
0xc: {  	[smem:$0x3FAD] =	sst s4  }
0xd: {  	[smem:$0x3FAE] =	sst s5  }
0xe: {  	[smem:$0x3FAF] =	sst s6  }
0xf: {  	[smem:$0x3FB0] =	sst s7  }
0x10: {  	[smem:$0x3FB1] =	sst s8  }
0x11: {  	[smem:$0x3FB2] =	sst s9;
	s0 =	simm.s32 @!p0 $0x0  }
0x12: {  	s1 =	sld [smem:$0x3F98];
	s0 =	simm.s32 @p0 $0x1  }
0x13: {  	[smem:$0x3FB3] =	sst s0;
	s0 =	simm.s32 @!p1 $0x0  }
0x14: {  	s2 =	sld [smem:$0x3F97];
	s0 =	simm.s32 @p1 $0x1  }
0x15: {  	[smem:$0x3FB4] =	sst s0;
	s0 =	simm.s32 @!p2 $0x0  }
0x16: {  	s3 =	sld [smem:$0x3FDB];
	s0 =	simm.s32 @p2 $0x1  }
0x17: {  	s4 =	simm.s32 $0x1BF5;
	[smem:$0x3FB6] =	sst s0  }
0x18: {  	s0 =	sld [smem:$0x3F99];
	_ =	swait.ge [sflag:s4], $0x0  }
0x19: {  	s7 =	sld [smem:$0x3F9A]  }
0x1a: {  	s8 =	sadd.s32 $0xFFFFE003, lr  }
0x1b: {  	s9 =	sadd.s32 $0xFFFFFEF7, lr;
	s5 =	simm.s32 $0xFFFFFFFF;
	p2 =	slt.u32 s8, $0xFFFFF086  }
0x1c: {  	p1 =	slt.u32 s9, $0xF7A;
	s5 =	simm.s32 @!p2 $0x0  }
0x1d: {  	s5 =	simm.s32 @p1 $0x1;
	p0 =	seq.s32 s7, s2  }
0x1e: {  	s7 =	smul.u32 @!p0 $0xF7A, s2;
	p2 =	seq.s32 @!p0 s5, $0x0  }
0x1f: {  	s9 =	smul.u32 $0xF7A, s1;
	s8 =	simm.s32 @!p0 $0x1BF5;
	p2 =	por !p2, p0  }
0x20: {  	[sflag:s8] =	ssyncset.s32 @!p0 $0xFFFFF086;
	s6 =	sadd.s32 @!p0 s3, s7;
	s7 =	simm.s32 @!p0 $0x108  }
0x21: {  	s3 =	sadd.s32 s3, s9;
	s6 =	sadd.s32 @!p0 $0x88, s6;
	s7 =	simm.s32 @p2 $0x1082  }
0x22: {  	[simem:s7], [sflag:s8] =	dma.local @!p0 [hbm:s6], $0xF7A  }
0x23: {  	s9 =	sor.u32 $0xD0000000, s2;
	s6 =	simm.s32 $0x108;
	_ =	swait.ge @!p0 [sflag:s8], $0x0  }
0x24: {  	s3 =	sadd.s32 $0x88, s3;
	s6 =	simm.s32 @!p1 $0x1082;
	[sflag:s4] =	ssyncset.s32 $0xFFFFF086  }
0x25: {  	[simem:s6], [sflag:s4] =	dma.local [hbm:s3], $0xF7A  }
0x26: {  	[smem:$0x3F9A] =	sst s1;
	(tag) =	ssettag s2;
	_ =	strace s9  }
0x27: {  	s1 =	sld [smem:$0x3FAA]  }
0x28: {  	s2 =	sld [smem:$0x3FAB]  }
0x29: {  	s4 =	sld [smem:$0x3FAD]  }
0x2a: {  	p0 =	seq.s32 s5, $0x0;
	s5 =	sld [smem:$0x3FAE]  }
0x2b: {  	s6 =	sld [smem:$0x3FAF]  }
0x2c: {  	s7 =	sld [smem:$0x3FB0]  }
0x2d: {  	s3 =	simm.s32 $0x108;
	s8 =	sld [smem:$0x3FB1]  }
0x2e: {  	s3 =	simm.s32 @!p0 $0x1082;
	s9 =	sld [smem:$0x3FB2]  }
0x2f: {  	lr =	sadd.s32 s0, s3;
	s0 =	sld [smem:$0x3FA9]  }
0x30: {  	s3 =	sld [smem:$0x3FAC]  }
0x31: {  	[smem:$0x3FB5] =	sst s10  }
0x32: {  	s10 =	sld [smem:$0x3FB3];
	_ =	sdelay $0x3  }
0x33: {  	p0 =	seq.s32 s10, $0x1;
	s10 =	sld [smem:$0x3FB5];
	_ =	sdelay $0x3  }
0x34: {  	[smem:$0x3FB5] =	sst s10  }
0x35: {  	s10 =	sld [smem:$0x3FB4];
	_ =	sdelay $0x3  }
0x36: {  	p1 =	seq.s32 s10, $0x1;
	s10 =	sld [smem:$0x3FB5];
	_ =	sdelay $0x3  }
0x37: {  	[smem:$0x3FB5] =	sst s10  }
0x38: {  	s10 =	sld [smem:$0x3FB6]  }
0x39: {  	_ = 	snop;
	(pc) =	sbr.ind lr, $3  }
0x3a: {  	_ = 	snop  }
0x3b: {  	_ = 	snop  }
0x3c: {  	p2 =	seq.s32 s10, $0x1;
	s10 =	sld [smem:$0x3FB5]  }
0x3d: {  	_ =	shalt  }
0x3e: {  	_ =	shalt  }
0x3f: {  	_ =	shalt  }
0x40: {  	_ =	shalt  }
0x41: {  	_ =	shalt  }
0x42: {  	_ =	shalt  }
0x43: {  	_ =	shalt  }
0x44: {  	_ =	shalt  }
0x45: {  	_ =	shalt  }
0x46: {  	_ =	shalt  }
0x47: {  	_ =	shalt  }
0x48: {  	_ =	shalt  }
0x49: {  	_ =	shalt  }
0x4a: {  	_ =	shalt  }
0x4b: {  	_ =	shalt  }
0x4c: {  	_ =	shalt  }
0x4d: {  	_ =	shalt  }
0x4e: {  	_ =	shalt  }
0x4f: {  	_ =	shalt  }
0x50: {  	_ =	shalt  }
0x51: {  	_ =	shalt  }
0x52: {  	_ =	shalt  }
0x53: {  	_ =	shalt  }
0x54: {  	_ =	shalt  }
0x55: {  	_ =	shalt  }
0x56: {  	_ =	shalt  }
0x57: {  	_ =	shalt  }
0x58: {  	_ =	shalt  }
0x59: {  	_ =	shalt  }
0x5a: {  	_ =	shalt  }
0x5b: {  	_ =	shalt  }
0x5c: {  	_ =	shalt  }
0x5d: {  	_ =	shalt  }
0x5e: {  	_ =	shalt  }
0x5f: {  	_ =	shalt  }
0x60: {  	_ =	shalt  }
0x61: {  	_ =	shalt  }
0x62: {  	_ =	shalt  }
0x63: {  	_ =	shalt  }
0x64: {  	_ =	shalt  }
0x65: {  	_ =	shalt  }
0x66: {  	_ =	shalt  }
0x67: {  	_ =	shalt  }
0x68: {  	_ =	shalt  }
0x69: {  	_ =	shalt  }
0x6a: {  	_ =	shalt  }
0x6b: {  	_ =	shalt  }
0x6c: {  	_ =	shalt  }
0x6d: {  	_ =	shalt  }
0x6e: {  	_ =	shalt  }
0x6f: {  	_ =	shalt  }
0x70: {  	_ =	shalt  }
0x71: {  	_ =	shalt  }
0x72: {  	_ =	shalt  }
0x73: {  	_ =	shalt  }
0x74: {  	_ =	shalt  }
0x75: {  	_ =	shalt  }
0x76: {  	_ =	shalt  }
0x77: {  	_ =	shalt  }
0x78: {  	_ =	shalt  }
0x79: {  	_ =	shalt  }
0x7a: {  	_ =	shalt  }
0x7b: {  	_ =	shalt  }
0x7c: {  	_ =	shalt  }
0x7d: {  	_ =	shalt  }
0x7e: {  	_ =	shalt  }
0x7f: {  	_ =	shalt  }
0x80: {  	_ =	shalt  }
0x81: {  	_ =	shalt  }
0x82: {  	_ =	shalt  }
0x83: {  	_ =	shalt  }
0x84: {  	_ =	shalt  }
0x85: {  	_ =	shalt  }
0x86: {  	_ =	shalt  }
0x87: {  	_ =	shalt  }
.Lfunc_end0:
.L_simem_size_0:
called_computation.1_lowered:
.L_overlay_start_0:
0x88: {  	s2 =	sld [smem:$0x3FD9]  }
0x89: {  	s3 =	sld [smem:$0x3FFE];
	_ =	sdelay $0x1  }
0x8a: {  	s1 =	srdreg.scid  }
0x8b: {  	s0 =	sand.u32 $0x1, s1  }
0x8c: {  	s17 =	sshll.u32 s0, $0xA;
	s2 =	sadd.s32 s3, s2  }
0x8d: {  	s2 =	sadd.s32 s2, s17  }
0x8e: {  	[smem:$0x3FC1] =	sst s2  }
0x8f: {  	_ = 	snop  }
0x90: {  	s2 =	sld [smem:$0x3FC6]  }
0x91: {  	s18 =	sld [smem:$0x3FC5];
	(tm) =	ssettm $0x1  }
0x92: {  	s4 =	sld [smem:$0x3FFB];
	_ =	sdelay $0x3  }
0x93: {  	_ =	strace s4  }
0x94: {  	s4 =	sld [smem:$0x3FFC];
	_ =	sdelay $0x3  }
0x95: {  	_ =	strace s4  }
0x96: {  	s4 =	sld [smem:$0x3FFD];
	_ =	sdelay $0x3  }
0x97: {  	_ =	strace s4  }
0x98: {  	_ =	strace $0x8FFFFFFF  }
0x99: {  	s19 =	sld [smem:$0x3FDB];
	_ =	sdelay $0x1  }
0x9a: {  	s5 =	simm.s32 $_scs_section_size  }
0x9b: {  	s6 =	simm.s32 $_size__tile_overlayer_lowered;
	s7 =	simm.s32 $_tile_overlayer_lowered  }
0x9c: {  	s22 =	simm.s32 $0x1BFF;
	s21 =	sshll.u32 s7, $0x1;
	s4 =	sadd.s32 s5, s19  }
0x9d: {  	s8 =	simm.s32 $0x0;
	s20 =	sshll.u32 s6, $0x1;
	s6 =	sadd.s32 s21, s4  }
0x9e: {  	[timem:s8], [sflag:s22] =	dma.local [hbm:s6], s20  }
0x9f: {  	_ =	swait.ge [sflag:s22], s20  }
0xa0: {  	s5 =	ssub.s32 $0x0, s20;
	[sflag:s22] =	ssyncset.done $0x0  }
0xa1: {  	[sflag:s22] =	ssyncadd.s32 s5;
	_ =	sdelay $0x1  }
0xa2: {  	s23 =	simm.s32 $0x1B8B  }
0xa3: {  	_ =	swait.ge [sflag:s23], $0x1  }
0xa4: {  	[sflag:s23] =	ssyncset.done $0x0  }
0xa5: {  	s25 =	simm.s32 $0x1B8E;
	s24 =	sld [smem:$0x3FFE];
	[sflag:s23] =	ssyncadd.s32 $0xFFFFFFFF  }
0xa6: {  	s26 =	simm.s32 $execute0_lowered;
	[smem:$0x3FD2] =	sst s25  }
0xa7: {  	s6 =	sshll.u32 s26, $0x1;
	_ =	strace $0x80000049;
	[dreg:$0x1] =	wrdreg $0xFFFFFFFF  }
0xa8: {  	s28 =	simm.s32 $_size_execute0_lowered;
	s4 =	sadd.s32 s4, s6;
	[dreg:$0x0] =	wrdreg $0x0  }
0xa9: {  	s6 =	sshll.u32 s28, $0x1;
	[dreg:$0x2] =	wrdreg s4  }
0xaa: {  	[dreg:$0x3] =	wrdreg s6  }
0xab: {  	[dreg:$0x4] =	wrdreg $0xC0  }
0xac: {  	_ =	task [dreg:s8], $0x5FFFF  }
0xad: {  	[dreg:$0x1] =	wrdreg $0xFFFFFFFF  }
0xae: {  	[dreg:$0x0] =	wrdreg $0x60  }
0xaf: {  	[dreg:$0x2] =	wrdreg s24  }
0xb0: {  	[dreg:$0x3] =	wrdreg s2  }
0xb1: {  	[dreg:$0x4] =	wrdreg s18  }
0xb2: {  	[dreg:$0x5] =	wrdreg $0x9  }
0xb3: {  	_ =	task.clear_ibuf [dreg:s8], $0x6FFFF;
	_ =	strace $0x90000049  }
0xb4: {  	s29 =	simm.s32 $0x9;
	_ =	strace $0x8000004B  }
0xb5: {  	_ =	swait.ge [sflag:s29], $0x1  }
0xb6: {  	[sflag:s29] =	ssyncadd.s32 $0xFFFFFFFF  }
0xb7: {  	_ =	strace $0x9000004B  }
0xb8: {  	_ =	sfence  }
0xb9: {  	s30 =	sld [smem:$0x0];
	_ =	sdelay $0x2  }
0xba: {  	s31 =	sshll.u32 s1, $0xD;
	s1 =	sshrl.u32 s1, $0x2  }
0xbb: {  	s3 =	sand.u32 $0x4000, s31;
	s1 =	sadd.s32 s1, s30  }
0xbc: {  	s0 =	sor.u32 s3, s0;
	s1 =	sshll.u32 s1, $0x11  }
0xbd: {  	s0 =	sor.u32 s1, s0  }
0xbe: {  	s0 =	sadd.s32 $0x8F2B, s0  }
0xbf: {  	[sflag:s0] =	ssyncadd.remote.s32 $0x1  }
0xc0: {  	_ =	sfence.sel $0xFFFF  }
0xc1: {  	[dreg:$0x0] =	wrdreg $0xFFFFFFFF;
	(pc) =	sbr.abs _section_cstart, $3  }
0xc2: {  	[dreg:$0x1] =	wrdreg $0xFFFFFFFF  }
0xc3: {  	_ =	task.clear_ibuf [dreg:s8], $0x2FFFF;
	_ =	strace $0x9FFFFFFF  }
0xc4: {  	(tm) =	ssettm $0x7FFFFFFF  }
0xc5: {  	_ =	shalt  }
tec
execute0_lowered:
.L_overlay_start_1:
0x0: {  	(tag) =	ssettag $0x1  }
0x1: {  	s0 =	rddreg [dreg:$0x0]  }
0x2: {  	s2 =	rddreg [dreg:$0x1]  }
0x3: {  	s3 =	rddreg [dreg:$0x2];
	s4 =	simm.s32 $0x0  }
0x4: {  	s6 =	stileid.u32;
	s1 =	srdreg.scid;
	s14 =	simm.s32 $0x3  }
0x5: {  	s17 =	simm.s32 $0x1AC00;
	s18 =	simm.s32 $0x1BC00;
	s19 =	simm.s32 $0x1CC00  }
0x6: {  	s20 =	simm.s32 $0x1DC00;
	s21 =	simm.s32 $0x1;
	s22 =	simm.s32 $0x18800  }
0x7: {  	s23 =	simm.s32 $0x2;
	s24 =	simm.s32 $0x80;
	s25 =	simm.s32 $0x400  }
0x8: {  	s26 =	simm.s32 $0x0;
	s28 =	simm.s32 $0x0;
	[smem:$0x7FF] =	sst s4  }
0x9: {  	s1 =	sand.u32 $0x1, s1;
	s5 =	sshll.u32 s6, $0x1;
	s7 =	sshll.u32 s6, $0x8  }
0xa: {  	s6 =	sadd.s32 $0xD200, s0;
	_ =	strace $0x8000004A;
	s8 =	sor.u32 s1, s5  }
0xb: {  	s5 =	sadd.s32 $0xA000, s0;
	s7 =	sand.u32 $0xC00, s7;
	s1 =	ssub.s32 $0x2, s1  }
0xc: {  	s11 =	smul.u32 $0x30D40, s8;
	s31 =	sshrl.u32 s1, $0x1;
	s10 =	sshll.u32 s8, $0x4  }
0xd: {  	s0 =	sadd.s32 s7, s0;
	s1 =	ssub.s32 s1, s31;
	s12 =	sand.u32 $0x70, s10  }
0xe: {  	s9 =	sshrl.u32 s11, $0x3;
	s10 =	sadd.s32 $0xFA0, s11;
	s11 =	sadd.s32 $0x1F40, s11  }
0xf: {  	s0 =	sadd.s32 s12, s0;
	s13 =	smax.u32 s1, $0x1;
	s7 =	sadd.s32 s2, s9  }
0x10: {  	v0 =	vimm.f32 $0.0e+00;
	s8 =	sadd.s32 s3, s9;
	s9 =	sadd.s32 s6, s9;
	s12 =	sadd.s32 $0xA00, s0  }
.LBB2_1:
0x11: {  	[tilespmem:s4], [sflag:$0x3] =	stream.linear.gather [hbm4b:s5+s4], $0x18800, $0x38;
	[tilespmem:$0x1EC00] =	vst v63  }
0x12: {  	_ =	swait.ge [sflag:s14], $0x18800  }
0x13: {  	[sflag:s14] =	ssyncset.done $0x0  }
0x14: {  	s0 =	simm.s32 $0x40;
	s1 =	simm.s32 $0x0;
	[sflag:s14] =	ssyncadd.s32 $0xFFFE7800  }
.LBB2_2:
0x15: {  	p0 =	sne.s32 s0, $0xFC0;
	[tilespmem:s1+$0x18800] =	vst v0;
	s1 =	smov.u32 s0;
	s0 =	sadd.s32 $0x40, s0  }
.Ltmp0:
0x16: {  	(pc) =	sbr.rel @p0 .LBB2_2-.Ltmp0, $2  }
0x17: {  	_ =	sdelay $0x2  }
0x18: {  	s1 =	sshra.s32 s1, $0x2  }
0x19: {  	[tilespmem:s1+$0x18800] =	vst v0;
	s0 =	simm.s32 $0x18C00  }
0x1a: {  	[tilespmem:s0], [sflag:$0x1] =	stream.linear.gather [hbm4b:s7+s28], $0xFA0, $0x38;
	[tilespmem:$0x1EC00] =	vst v63  }
0x1b: {  	s31 =	simm.s32 $0x19C00  }
0x1c: {  	[tilespmem:s31], [sflag:$0x1] =	stream.linear.gather [hbm4b:s8+s28], $0xFA0, $0x38;
	[tilespmem:$0x1EC00] =	vst v63  }
0x1d: {  	s29 =	simm.s32 $0x0  }
0x1e: {  	[tilespmem:s17], [sflag:$0x1] =	stream.linear.gather [hbm4b:s9+s28], $0xFA0, $0x38;
	[tilespmem:$0x1EC00] =	vst v63  }
.LBB2_4:
0x1f: {  	s30 =	smul.u32 $0x1F40, s29;
	_ =	sdelay $0x1  }
0x20: {  	s0 =	sadd.s32 s30, s10  }
0x21: {  	s0 =	sshrl.u32 s0, $0x3  }
0x22: {  	s1 =	sadd.s32 s2, s0  }
0x23: {  	[tilespmem:s18], [sflag:$0x2] =	stream.linear.gather [hbm4b:s1+s4], $0xFA0, $0x38;
	[tilespmem:$0x1EC00] =	vst v63  }
0x24: {  	s15 =	sadd.s32 s3, s0  }
0x25: {  	[tilespmem:s19], [sflag:$0x2] =	stream.linear.gather [hbm4b:s15+s4], $0xFA0, $0x38;
	[tilespmem:$0x1EC00] =	vst v63  }
0x26: {  	s0 =	sadd.s32 s6, s0  }
0x27: {  	[tilespmem:s20], [sflag:$0x2] =	stream.linear.gather [hbm4b:s0+s4], $0xFA0, $0x38;
	[tilespmem:$0x1EC00] =	vst v63  }
0x28: {  	_ =	swait.ge [sflag:s21], $0xFA0  }
0x29: {  	[sflag:s21] =	ssyncset.done $0x0  }
0x2a: {  	[sflag:s21] =	ssyncadd.s32 $0xFFFFF060  }
0x2b: {  	_ =	swait.ge [sflag:s21], $0xFA0  }
0x2c: {  	[sflag:s21] =	ssyncset.done $0x0  }
0x2d: {  	[sflag:s21] =	ssyncadd.s32 $0xFFFFF060  }
0x2e: {  	_ =	swait.ge [sflag:s21], $0xFA0  }
0x2f: {  	[sflag:s21] =	ssyncset.done $0x0  }
0x30: {  	s16 =	simm.s32 $0x18C40;
	[sflag:s21] =	ssyncadd.s32 $0xFFFFF060  }
0x31: {  	s31 =	simm.s32 $0x19C40;
	v1 =	vld [tilespmem:s16+$0x30]  }
0x32: {  	v2 =	vld [tilespmem:s31+$0x30]  }
0x33: {  	v3 =	vld [tilespmem:s31+$0xFFFFFFC0]  }
0x34: {  	v4 =	vld [tilespmem:s16+$0xFFFFFFD0]  }
0x35: {  	v5 =	vld [tilespmem:s31+$0xFFFFFFD0]  }
0x36: {  	v6 =	vld [tilespmem:s16+$0xFFFFFFE0]  }
0x37: {  	s0 =	simm.s32 $0x1AC40;
	v7 =	vld [tilespmem:s31+$0xFFFFFFE0]  }
0x38: {  	v8 =	vld [tilespmem:s0+$0x30]  }
0x39: {  	v10 =	vld [tilespmem:s16+$0xFFFFFFF0]  }
0x3a: {  	v11 =	vld [tilespmem:s31+$0xFFFFFFF0]  }
0x3b: {  	v12 =	vld [tilespmem:s16+$0x0]  }
0x3c: {  	v13 =	vld [tilespmem:s31+$0x0]  }
0x3d: {  	v14 =	vld [tilespmem:s16+$0x10]  }
0x3e: {  	v15 =	vld [tilespmem:s31+$0x10]  }
0x3f: {  	v17 =	vld [tilespmem:s16+$0x20]  }
0x40: {  	v9 =	vld.idx.msk [tilespmem:v1+s28+$0x0], $0xffff  }
0x41: {  	v1 =	vld.idx.msk [tilespmem:v2+s28+$0x0], $0xffff  }
0x42: {  	v18 =	vld [tilespmem:s31+$0x20]  }
0x43: {  	v19 =	vld [tilespmem:s16+$0xFFFFFFC0]  }
0x44: {  	v22 =	vld [tilespmem:s0+$0xFFFFFFD0];
	v2 =	vmul.f32 v8, v8  }
0x45: {  	v27 =	vld [tilespmem:s0+$0x20]  }
0x46: {  	v20 =	vld.idx.msk [tilespmem:v3+s28+$0x0], $0xffff;
	v2 =	vmul.f32 v2, v8;
	v16 =	vshra.s32 v9, $0xA;
	v1 =	vshra.s32 v1, $0xA  }
0x47: {  	v7 =	vld.idx.msk [tilespmem:v7+s28+$0x0], $0xffff;
	v16 =	vcvt.s32.f32 v16;
	v1 =	vcvt.s32.f32 v1  }
0x48: {  	v11 =	vld.idx.msk [tilespmem:v11+s28+$0x0], $0xffff  }
0x49: {  	v13 =	vld.idx.msk [tilespmem:v13+s28+$0x0], $0xffff;
	(erf) = vrcp.f32 v2;
	v16 =	vadd.f32 v1, v16  }
0x4a: {  	v1 =	vld.idx.msk [tilespmem:v4+s28+$0x0], $0xffff  }
0x4b: {  	v2 =	vld.idx.msk [tilespmem:v6+s28+$0x0], $0xffff;
	v3 =	vmul.f32 $9.536743160e-07, v16  }
0x4c: {  	vm2 =	vle.f32 v8, $2.500000000e+01;
	v26 =	vmul.f32 v22, v22;
	vm4 =	vle.f32 v22, $2.500000000e+01;
	v4 =	vld.idx.msk [tilespmem:v5+s28+$0x0], $0xffff  }
0x4d: {  	v63 =	vmul.f32 v27, v27;
	v18 =	vld.idx.msk [tilespmem:v18+s28+$0x0], $0xffff;
	v7 =	vshra.s32 v7, $0xA;
	v5 =	vmul.f32 v3, v3  }
0x4e: {  	v11 =	vshra.s32 v11, $0xA;
	v13 =	vshra.s32 v13, $0xA;
	v7 =	vcvt.s32.f32 v7;
	v3 =	vld.idx.msk [tilespmem:v10+s28+$0x0], $0xffff  }
0x4f: {  	v6 =	vld.idx.msk [tilespmem:v19+s28+$0x0], $0xffff;
	v16 =	vshra.s32 v20, $0xA;
	v20 =	vshra.s32 v1, $0xA;
	v10 =	vmul.f32 v5, v5  }
0x50: {  	v8 =	vld.idx.msk [tilespmem:v15+s28+$0x0], $0xffff;
	v11 =	vcvt.s32.f32 v11;
	v19 =	vcvt.s32.f32 v20;
	v20 =	vshra.s32 v2, $0xA  }
0x51: {  	v5 =	vmul.f32 v10, v5;
	v10 =	vcvt.s32.f32 v16;
	v16 =	vshra.s32 v4, $0xA;
	v4 =	vld.idx.msk [tilespmem:v12+s28+$0x0], $0xffff  }
0x52: {  	v18 =	vshra.s32 v18, $0xA;
	v20 =	vcvt.s32.f32 v20;
	v12 =	vpop (erf);
	v16 =	vcvt.s32.f32 v16  }
0x53: {  	v13 =	vcvt.s32.f32 v13;
	v12 =	vmul.f32 v5, v12;
	v5 =	vld.idx.msk [tilespmem:v14+s28+$0x0], $0xffff;
	v14 =	vshra.s32 v3, $0xA  }
0x54: {  	v15 =	vadd.f32 v16, v19;
	v16 =	vshra.s32 v6, $0xA;
	v19 =	vadd.f32 v7, v20;
	v7 =	vld.idx.msk [tilespmem:v17+s28+$0x0], $0xffff  }
0x55: {  	v8 =	vshra.s32 v8, $0xA;
	v14 =	vcvt.s32.f32 v14;
	v20 =	vld [tilespmem:s0+$0xFFFFFFC0];
	v16 =	vcvt.s32.f32 v16  }
0x56: {  	v8 =	vcvt.s32.f32 v8;
	v17 =	vshra.s32 v4, $0xA;
	v15 =	vmul.f32 $9.536743160e-07, v15  }
0x57: {  	v11 =	vadd.f32 v11, v14;
	v14 =	vld [tilespmem:s0+$0xFFFFFFE0];
	v21 =	vcvt.s32.f32 v17;
	v10 =	vadd.f32 v10, v16  }
0x58: {  	v16 =	vmul.f32 $9.536743160e-07, v19;
	v17 =	vshra.s32 v5, $0xA;
	v15 =	vmul.f32 v15, v15  }
0x59: {  	v23 =	vld [tilespmem:s0+$0x0];
	v9 =	vand.u32 $0x3FF, v9;
	v19 =	vcvt.s32.f32 v17;
	v17 =	vmul.f32 $9.536743160e-07, v10  }
0x5a: {  	v25 =	vld [tilespmem:s0+$0x10];
	v13 =	vadd.f32 v13, v21;
	v21 =	vshra.s32 v7, $0xA;
	v24 =	vmul.f32 v20, v20  }
0x5b: {  	v10 =	vld [tilespmem:s0+$0xFFFFFFF0];
	v21 =	vcvt.s32.f32 v21;
	v19 =	vadd.f32 v8, v19;
	v8 =	vcvt.s32.f32 v18  }
0x5c: {  	v12 =	vnsel vm2, $0x0, v12;
	v24 =	vmul.f32 v24, v20;
	v28 =	vmul.f32 v14, v14  }
0x5d: {  	vm0 =	vle.f32 v20, $2.500000000e+01;
	v18 =	vmul.f32 $9.536743160e-07, v11;
	v11 =	vmul.f32 v26, v22  }
0x5e: {  	[tilespmem:v9+s22+$0x0] =	vst.idx.add.f32.msk $0xffff, v12;
	v22 =	vmul.f32 v23, v23;
	vm1 =	vle.f32 v14, $2.500000000e+01;
	v12 =	vmul.f32 $9.536743160e-07, v13  }
0x5f: {  	v20 =	vadd.f32 v8, v21;
	v21 =	vmul.f32 v28, v14;
	v14 =	vmul.f32 v25, v25  }
0x60: {  	vm5 =	vle.f32 v25, $2.500000000e+01;
	(erf) = vrcp.f32 v24;
	v8 =	vmul.f32 v10, v10  }
0x61: {  	vm6 =	vle.f32 v27, $2.500000000e+01;
	(erf) = vrcp.f32 v11;
	v11 =	vmul.f32 v14, v25  }
0x62: {  	vm2 =	vle.f32 v23, $2.500000000e+01;
	v14 =	vmul.f32 v63, v27;
	v8 =	vmul.f32 v8, v10  }
0x63: {  	s15 =	simm.s32 $0x0;
	s16 =	simm.s32 $0x18CC0;
	vm3 =	vle.f32 v10, $2.500000000e+01;
	(erf) = vrcp.f32 v21;
	v10 =	vmul.f32 v22, v23  }
.LBB2_5:
0x64: {  	v21 =	vld [tilespmem:s16+$0x30];
	v9 =	vand.u32 $0x3FF, v6;
	v6 =	vmul.f32 $9.536743160e-07, v19;
	s31 =	sadd.s32 $0x80, s31;
	(erf) = vrcp.f32 v8  }
0x65: {  	s15 =	sadd.s32 $0x8, s15;
	v8 =	vand.u32 $0x3FF, v1;
	v1 =	vmul.f32 $9.536743160e-07, v20;
	v19 =	vld [tilespmem:s31+$0x30];
	(erf) = vrcp.f32 v10  }
0x66: {  	v17 =	vmul.f32 v17, v17;
	p0 =	slt.u32 s15, $0xF0;
	v10 =	vand.u32 $0x3FF, v2;
	v20 =	vld [tilespmem:s31+$0xFFFFFFC0];
	(erf) = vrcp.f32 v11  }
0x67: {  	v16 =	vmul.f32 v16, v16;
	v11 =	vand.u32 $0x3FF, v3;
	v2 =	vld [tilespmem:s16+$0xFFFFFFD0];
	(erf) = vrcp.f32 v14  }
0x68: {  	v18 =	vmul.f32 v18, v18;
	v22 =	vmul.f32 v12, v12;
	v14 =	vand.u32 $0x3FF, v4;
	v3 =	vld [tilespmem:s31+$0xFFFFFFD0]  }
0x69: {  	v12 =	vand.u32 $0x3FF, v5;
	v6 =	vmul.f32 v6, v6;
	v1 =	vmul.f32 v1, v1;
	v4 =	vld [tilespmem:s16+$0xFFFFFFE0]  }
0x6a: {  	v24 =	vmul.f32 v15, v15;
	v13 =	vand.u32 $0x3FF, v7;
	s0 =	sadd.s32 $0x80, s0;
	v23 =	vmul.f32 v17, v17;
	v5 =	vld [tilespmem:s31+$0xFFFFFFE0];
	v7 =	vpop (erf)  }
0x6b: {  	s1 =	simm.s32 $0x0;
	v26 =	vmul.f32 v16, v16;
	v27 =	vmul.f32 v18, v18;
	v25 =	vld [tilespmem:s0+$0x30];
	v28 =	vpop (erf)  }
0x6c: {  	v29 =	vmul.f32 v22, v22;
	v30 =	vmul.f32 v6, v6;
	v21 =	vld.idx.msk [tilespmem:v21+s1+$0x0], $0xffff;
	v31 =	vpop (erf)  }
0x6d: {  	v17 =	vmul.f32 v23, v17;
	v34 =	vmul.f32 v1, v1;
	v19 =	vld.idx.msk [tilespmem:v19+s1+$0x0], $0xffff;
	v32 =	vpop (erf)  }
0x6e: {  	v15 =	vmul.f32 v24, v15;
	v16 =	vmul.f32 v26, v16;
	v33 =	vld [tilespmem:s16+$0xFFFFFFF0];
	v24 =	vpop (erf)  }
0x6f: {  	v18 =	vmul.f32 v27, v18;
	v22 =	vmul.f32 v29, v22;
	v26 =	vld [tilespmem:s31+$0xFFFFFFF0];
	v27 =	vpop (erf)  }
0x70: {  	v6 =	vmul.f32 v30, v6;
	v1 =	vmul.f32 v34, v1;
	v29 =	vld [tilespmem:s16+$0x0];
	v23 =	vpop (erf)  }
0x71: {  	v7 =	vmul.f32 v17, v7;
	v34 =	vmul.f32 v25, v25;
	v30 =	vld [tilespmem:s31+$0x0]  }
0x72: {  	v15 =	vmul.f32 v15, v28;
	v16 =	vmul.f32 v16, v31;
	v17 =	vld [tilespmem:s16+$0x10]  }
0x73: {  	v31 =	vshra.s32 v21, $0xA;
	v19 =	vshra.s32 v19, $0xA;
	v34 =	vmul.f32 v34, v25;
	v28 =	vld [tilespmem:s31+$0x10]  }
0x74: {  	v36 =	vnsel vm0, $0x0, v7;
	v31 =	vcvt.s32.f32 v31;
	v19 =	vcvt.s32.f32 v19;
	v35 =	vld [tilespmem:s16+$0x20]  }
0x75: {  	v38 =	vnsel vm4, $0x0, v15;
	v7 =	vmul.f32 v18, v32;
	v15 =	vmul.f32 v22, v24;
	v37 =	vld [tilespmem:s31+$0x20]  }
0x76: {  	v6 =	vmul.f32 v6, v27;
	v19 =	vadd.f32 v19, v31;
	v18 =	vld [tilespmem:s16+$0xFFFFFFC0];
	(erf) = vrcp.f32 v34  }
0x77: {  	v22 =	vnsel vm1, $0x0, v16;
	v24 =	vnsel vm3, $0x0, v7;
	v7 =	vmul.f32 v1, v23;
	v20 =	vld.idx.msk [tilespmem:v20+s1+$0x0], $0xffff  }
0x78: {  	v23 =	vnsel vm2, $0x0, v15;
	v27 =	vnsel vm5, $0x0, v6;
	v16 =	vmul.f32 $9.536743160e-07, v19;
	v1 =	vld.idx.msk [tilespmem:v2+s1+$0x0], $0xffff  }
0x79: {  	v31 =	vnsel vm6, $0x0, v7;
	v15 =	vld.idx.msk [tilespmem:v3+s1+$0x0], $0xffff  }
0x7a: {  	v2 =	vld.idx.msk [tilespmem:v4+s1+$0x0], $0xffff;
	v4 =	vmul.f32 v16, v16  }
0x7b: {  	v5 =	vld.idx.msk [tilespmem:v5+s1+$0x0], $0xffff  }
0x7c: {  	v3 =	vld.idx.msk [tilespmem:v33+s1+$0x0], $0xffff;
	v7 =	vmul.f32 v4, v4  }
0x7d: {  	v16 =	vshra.s32 v20, $0xA;
	v19 =	vld.idx.msk [tilespmem:v26+s1+$0x0], $0xffff  }
0x7e: {  	v20 =	vand.u32 $0x3FF, v21;
	v6 =	vld.idx.msk [tilespmem:v18+s1+$0x0], $0xffff;
	v18 =	vshra.s32 v1, $0xA;
	v7 =	vmul.f32 v7, v4  }
0x7f: {  	v16 =	vcvt.s32.f32 v16;
	v15 =	vshra.s32 v15, $0xA;
	v18 =	vcvt.s32.f32 v18;
	v4 =	vld.idx.msk [tilespmem:v29+s1+$0x0], $0xffff;
	v21 =	vpop (erf)  }
0x80: {  	v15 =	vcvt.s32.f32 v15;
	v26 =	vshra.s32 v2, $0xA;
	v29 =	vld.idx.msk [tilespmem:v30+s1+$0x0], $0xffff;
	v7 =	vmul.f32 v7, v21  }
0x81: {  	vm0 =	vle.f32 v25, $2.500000000e+01;
	v21 =	vcvt.s32.f32 v26;
	v26 =	vshra.s32 v5, $0xA;
	v5 =	vld.idx.msk [tilespmem:v17+s1+$0x0], $0xffff  }
0x82: {  	v17 =	vcvt.s32.f32 v26;
	v25 =	vshra.s32 v3, $0xA;
	v26 =	vld.idx.msk [tilespmem:v28+s1+$0x0], $0xffff;
	v7 =	vnsel vm0, $0x0, v7  }
0x83: {  	v15 =	vadd.f32 v15, v18;
	v18 =	vcvt.s32.f32 v25;
	v19 =	vshra.s32 v19, $0xA;
	[tilespmem:v20+s22+$0x0] =	vst.idx.add.f32.msk $0xffff, v7  }
0x84: {  	v20 =	vshra.s32 v6, $0xA;
	v17 =	vadd.f32 v17, v21;
	v19 =	vcvt.s32.f32 v19;
	v7 =	vld.idx.msk [tilespmem:v35+s1+$0x0], $0xffff  }
0x85: {  	v15 =	vmul.f32 $9.536743160e-07, v15;
	v20 =	vcvt.s32.f32 v20;
	v21 =	vshra.s32 v4, $0xA;
	v25 =	vld.idx.msk [tilespmem:v37+s1+$0x0], $0xffff  }
0x86: {  	v18 =	vadd.f32 v19, v18;
	v19 =	vcvt.s32.f32 v21;
	v21 =	vshra.s32 v29, $0xA;
	v28 =	vld [tilespmem:s0+$0xFFFFFFC0]  }
0x87: {  	v20 =	vadd.f32 v16, v20;
	v21 =	vcvt.s32.f32 v21;
	v30 =	vshra.s32 v5, $0xA;
	v29 =	vld [tilespmem:s0+$0xFFFFFFD0]  }
0x88: {  	v16 =	vmul.f32 $9.536743160e-07, v17;
	v30 =	vcvt.s32.f32 v30;
	v26 =	vshra.s32 v26, $0xA;
	v32 =	vld [tilespmem:s0+$0xFFFFFFE0]  }
0x89: {  	v17 =	vmul.f32 $9.536743160e-07, v20;
	v21 =	vadd.f32 v21, v19;
	v19 =	vcvt.s32.f32 v26;
	v33 =	vld [tilespmem:s0+$0xFFFFFFF0]  }
0x8a: {  	v15 =	vmul.f32 v15, v15;
	v18 =	vmul.f32 $9.536743160e-07, v18;
	v20 =	vshra.s32 v7, $0xA;
	v26 =	vld [tilespmem:s0+$0x0]  }
0x8b: {  	v20 =	vcvt.s32.f32 v20;
	v25 =	vshra.s32 v25, $0xA;
	v34 =	vmul.f32 v28, v28;
	v35 =	vld [tilespmem:s0+$0x10]  }
0x8c: {  	v19 =	vadd.f32 v19, v30;
	v25 =	vcvt.s32.f32 v25;
	v37 =	vmul.f32 v29, v29;
	v30 =	vld [tilespmem:s0+$0x20]  }
0x8d: {  	vm0 =	vle.f32 v28, $2.500000000e+01;
	v34 =	vmul.f32 v34, v28;
	v28 =	vmul.f32 v32, v32;
	[tilespmem:v9+s22+$0x0] =	vst.idx.add.f32.msk $0xffff, v36  }
0x8e: {  	v20 =	vadd.f32 v25, v20;
	v9 =	vmul.f32 v37, v29;
	v36 =	vmul.f32 v33, v33  }
0x8f: {  	vm4 =	vle.f32 v29, $2.500000000e+01;
	v25 =	vmul.f32 v28, v32;
	v28 =	vmul.f32 v26, v26;
	[tilespmem:v8+s22+$0x0] =	vst.idx.add.f32.msk $0xffff, v38  }
.Ltmp1:
0x90: {  	vm1 =	vle.f32 v32, $2.500000000e+01;
	v8 =	vmul.f32 v36, v33;
	v29 =	vmul.f32 v35, v35;
	[tilespmem:v10+s22+$0x0] =	vst.idx.add.f32.msk $0xffff, v22;
	(pc) =	sbr.rel @p0 .LBB2_5-.Ltmp1, $4  }
0x91: {  	vm3 =	vle.f32 v33, $2.500000000e+01;
	v10 =	vmul.f32 v28, v26;
	v22 =	vmul.f32 v30, v30;
	[tilespmem:v11+s22+$0x0] =	vst.idx.add.f32.msk $0xffff, v24  }
0x92: {  	vm2 =	vle.f32 v26, $2.500000000e+01;
	v11 =	vmul.f32 v29, v35;
	(erf) = vrcp.f32 v34;
	[tilespmem:v14+s22+$0x0] =	vst.idx.add.f32.msk $0xffff, v23  }
0x93: {  	vm5 =	vle.f32 v35, $2.500000000e+01;
	v14 =	vmul.f32 v22, v30;
	(erf) = vrcp.f32 v9;
	[tilespmem:v12+s22+$0x0] =	vst.idx.add.f32.msk $0xffff, v27  }
0x94: {  	s16 =	sadd.s32 $0x80, s16;
	vm6 =	vle.f32 v30, $2.500000000e+01;
	v12 =	vmul.f32 $9.536743160e-07, v21;
	(erf) = vrcp.f32 v25;
	[tilespmem:v13+s22+$0x0] =	vst.idx.add.f32.msk $0xffff, v31  }
0x95: {  	v9 =	vmul.f32 $9.536743160e-07, v19  }
0x96: {  	(erf) = vrcp.f32 v8;
	v48 =	vmul.f32 $9.536743160e-07, v20  }
0x97: {  	v49 =	vmul.f32 v17, v17;
	v50 =	vmul.f32 v16, v16  }
0x98: {  	v13 =	vmul.f32 v18, v18;
	v52 =	vmul.f32 v15, v15  }
0x99: {  	(erf) = vrcp.f32 v10;
	v12 =	vmul.f32 v12, v12  }
0x9a: {  	(erf) = vrcp.f32 v11;
	v9 =	vmul.f32 v9, v9  }
0x9b: {  	v6 =	vand.u32 $0x3FF, v6;
	v8 =	vmul.f32 v48, v48;
	v51 =	vmul.f32 v49, v49  }
0x9c: {  	v1 =	vand.u32 $0x3FF, v1;
	v53 =	vmul.f32 v50, v50;
	(erf) = vrcp.f32 v14  }
0x9d: {  	v2 =	vand.u32 $0x3FF, v2;
	v18 =	vmul.f32 v13, v13;
	v15 =	vmul.f32 v52, v15  }
0x9e: {  	v3 =	vand.u32 $0x3FF, v3;
	v54 =	vmul.f32 v12, v12;
	v10 =	vmul.f32 v51, v49  }
0x9f: {  	v4 =	vand.u32 $0x3FF, v4;
	v55 =	vmul.f32 v9, v9;
	v21 =	vmul.f32 v8, v8;
	v56 =	vpop (erf)  }
0xa0: {  	v5 =	vand.u32 $0x3FF, v5;
	v11 =	vmul.f32 v53, v50;
	v57 =	vpop (erf);
	v10 =	vmul.f32 v10, v56  }
0xa1: {  	v7 =	vand.u32 $0x3FF, v7;
	v13 =	vmul.f32 v18, v13;
	v58 =	vpop (erf);
	v15 =	vmul.f32 v15, v57  }
0xa2: {  	v12 =	vmul.f32 v54, v12;
	v59 =	vpop (erf);
	v11 =	vmul.f32 v11, v58;
	v10 =	vnsel vm0, $0x0, v10  }
0xa3: {  	v9 =	vmul.f32 v55, v9;
	v60 =	vpop (erf);
	v15 =	vnsel vm4, $0x0, v15;
	v13 =	vmul.f32 v13, v59;
	[tilespmem:v6+s22+$0x0] =	vst.idx.add.f32.msk $0xffff, v10  }
0xa4: {  	v8 =	vmul.f32 v21, v8;
	v61 =	vpop (erf);
	v62 =	vmul.f32 v12, v60;
	v11 =	vnsel vm1, $0x0, v11;
	[tilespmem:v1+s22+$0x0] =	vst.idx.add.f32.msk $0xffff, v15  }
0xa5: {  	v1 =	vpop (erf);
	v6 =	vmul.f32 v9, v61;
	v63 =	vnsel vm3, $0x0, v13;
	[tilespmem:v2+s22+$0x0] =	vst.idx.add.f32.msk $0xffff, v11  }
0xa6: {  	v1 =	vmul.f32 v8, v1;
	v2 =	vnsel vm2, $0x0, v62;
	[tilespmem:v3+s22+$0x0] =	vst.idx.add.f32.msk $0xffff, v63  }
0xa7: {  	v3 =	vnsel vm5, $0x0, v6;
	[tilespmem:v4+s22+$0x0] =	vst.idx.add.f32.msk $0xffff, v2  }
0xa8: {  	v1 =	vnsel vm6, $0x0, v1;
	[tilespmem:v5+s22+$0x0] =	vst.idx.add.f32.msk $0xffff, v3  }
0xa9: {  	[tilespmem:v7+s22+$0x0] =	vst.idx.add.f32.msk $0xffff, v1  }
.LBB2_7:
0xaa: {  	s0 =	sshra.s32 s1, $0x2  }
0xab: {  	v1 =	vld [tilespmem:s0+$0x19B80]  }
0xac: {  	v2 =	vld [tilespmem:s0+$0x1AB80];
	_ =	sdelay $0x5  }
0xad: {  	v3 =	vld [tilespmem:s0+$0x1BB80]  }
0xae: {  	v1 =	vld.idx.msk [tilespmem:v1+s4+$0x0], $0xffff  }
0xaf: {  	v2 =	vld.idx.msk [tilespmem:v2+s4+$0x0], $0xffff;
	_ =	sdelay $0x2  }
0xb0: {  	v5 =	vmul.f32 v3, v3;
	_ =	sdelay $0x1  }
0xb1: {  	v5 =	vmul.f32 v5, v3;
	v4 =	vshra.s32 v1, $0xA;
	v2 =	vshra.s32 v2, $0xA  }
0xb2: {  	v4 =	vcvt.s32.f32 v4;
	v2 =	vcvt.s32.f32 v2;
	_ =	sdelay $0x1  }
0xb3: {  	(erf) = vrcp.f32 v5;
	v2 =	vadd.f32 v2, v4;
	_ =	sdelay $0x1  }
0xb4: {  	v2 =	vmul.f32 $9.536743160e-07, v2;
	_ =	sdelay $0x1  }
0xb5: {  	v2 =	vmul.f32 v2, v2;
	_ =	sdelay $0x1  }
0xb6: {  	v62 =	vmul.f32 v2, v2;
	_ =	sdelay $0x1  }
0xb7: {  	p0 =	sne.s32 s1, $0x40;
	v1 =	vand.u32 $0x3FF, v1;
	v2 =	vmul.f32 v62, v2  }
.Ltmp2:
0xb8: {  	v63 =	vpop (erf);
	(pc) =	sbr.rel @p0 .LBB2_7-.Ltmp2, $4  }
0xb9: {  	v2 =	vmul.f32 v2, v63  }
0xba: {  	vm0 =	vle.f32 v3, $2.500000000e+01  }
0xbb: {  	v2 =	vnsel vm0, $0x0, v2  }
0xbc: {  	s1 =	sadd.s32 $0x40, s1;
	[tilespmem:v1+s22+$0x0] =	vst.idx.add.f32.msk $0xffff, v2  }
0xbd: {  	p0 =	seq.s32 s29, $0x18  }
0xbe: {  	s0 =	sadd.s32 @!p0 s30, s11  }
0xbf: {  	s0 =	sshrl.u32 @!p0 s0, $0x3  }
0xc0: {  	s15 =	simm.s32 @!p0 $0x0;
	s16 =	simm.s32 @!p0 $0x18C00;
	s1 =	sadd.s32 @!p0 s2, s0  }
0xc1: {  	[tilespmem:s16], [sflag:$0x1] =	stream.linear.gather @!p0 [hbm4b:s1+s15], $0xFA0, $0x38;
	[tilespmem:$0x1EC00] =	vst v63  }
0xc2: {  	s1 =	sadd.s32 @!p0 s3, s0;
	s16 =	simm.s32 @!p0 $0x19C00  }
0xc3: {  	[tilespmem:s16], [sflag:$0x1] =	stream.linear.gather @!p0 [hbm4b:s1+s15], $0xFA0, $0x38;
	[tilespmem:$0x1EC00] =	vst v63  }
0xc4: {  	s0 =	sadd.s32 @!p0 s6, s0;
	s1 =	simm.s32 @!p0 $0x1AC00  }
0xc5: {  	[tilespmem:s1], [sflag:$0x1] =	stream.linear.gather @!p0 [hbm4b:s0+s15], $0xFA0, $0x38;
	[tilespmem:$0x1EC00] =	vst v63  }
0xc6: {  	_ =	swait.ge [sflag:s23], $0xFA0  }
0xc7: {  	[sflag:s23] =	ssyncset.done $0x0  }
0xc8: {  	[sflag:s23] =	ssyncadd.s32 $0xFFFFF060  }
0xc9: {  	_ =	swait.ge [sflag:s23], $0xFA0  }
0xca: {  	[sflag:s23] =	ssyncset.done $0x0  }
0xcb: {  	[sflag:s23] =	ssyncadd.s32 $0xFFFFF060  }
0xcc: {  	_ =	swait.ge [sflag:s23], $0xFA0  }
0xcd: {  	[sflag:s23] =	ssyncset.done $0x0  }
0xce: {  	s16 =	simm.s32 $0x1BC40;
	[sflag:s23] =	ssyncadd.s32 $0xFFFFF060  }
0xcf: {  	s31 =	simm.s32 $0x1CC40;
	v1 =	vld [tilespmem:s16+$0x30]  }
0xd0: {  	v2 =	vld [tilespmem:s31+$0x30]  }
0xd1: {  	v3 =	vld [tilespmem:s31+$0xFFFFFFC0]  }
0xd2: {  	v4 =	vld [tilespmem:s16+$0xFFFFFFD0]  }
0xd3: {  	v5 =	vld [tilespmem:s31+$0xFFFFFFD0]  }
0xd4: {  	v6 =	vld [tilespmem:s16+$0xFFFFFFE0]  }
0xd5: {  	s0 =	simm.s32 $0x1DC40;
	v7 =	vld [tilespmem:s31+$0xFFFFFFE0]  }
0xd6: {  	v8 =	vld [tilespmem:s0+$0x30]  }
0xd7: {  	v10 =	vld [tilespmem:s16+$0xFFFFFFF0]  }
0xd8: {  	v11 =	vld [tilespmem:s31+$0xFFFFFFF0]  }
0xd9: {  	v12 =	vld [tilespmem:s16+$0x0]  }
0xda: {  	v13 =	vld [tilespmem:s31+$0x0]  }
0xdb: {  	v14 =	vld [tilespmem:s16+$0x10]  }
0xdc: {  	v15 =	vld [tilespmem:s31+$0x10]  }
0xdd: {  	s30 =	simm.s32 $0x0;
	v17 =	vld [tilespmem:s16+$0x20]  }
0xde: {  	v9 =	vld.idx.msk [tilespmem:v1+s30+$0x0], $0xffff  }
0xdf: {  	v1 =	vld.idx.msk [tilespmem:v2+s30+$0x0], $0xffff  }
0xe0: {  	v18 =	vld [tilespmem:s31+$0x20]  }
0xe1: {  	v19 =	vld [tilespmem:s16+$0xFFFFFFC0]  }
0xe2: {  	v22 =	vld [tilespmem:s0+$0xFFFFFFD0];
	v2 =	vmul.f32 v8, v8  }
0xe3: {  	v27 =	vld [tilespmem:s0+$0x20]  }
0xe4: {  	v20 =	vld.idx.msk [tilespmem:v3+s30+$0x0], $0xffff;
	v2 =	vmul.f32 v2, v8;
	v16 =	vshra.s32 v9, $0xA;
	v1 =	vshra.s32 v1, $0xA  }
0xe5: {  	v7 =	vld.idx.msk [tilespmem:v7+s30+$0x0], $0xffff;
	v16 =	vcvt.s32.f32 v16;
	v1 =	vcvt.s32.f32 v1  }
0xe6: {  	v11 =	vld.idx.msk [tilespmem:v11+s30+$0x0], $0xffff  }
0xe7: {  	v13 =	vld.idx.msk [tilespmem:v13+s30+$0x0], $0xffff;
	(erf) = vrcp.f32 v2;
	v16 =	vadd.f32 v1, v16  }
0xe8: {  	v1 =	vld.idx.msk [tilespmem:v4+s30+$0x0], $0xffff  }
0xe9: {  	v2 =	vld.idx.msk [tilespmem:v6+s30+$0x0], $0xffff;
	v3 =	vmul.f32 $9.536743160e-07, v16  }
0xea: {  	vm2 =	vle.f32 v8, $2.500000000e+01;
	v26 =	vmul.f32 v22, v22;
	vm4 =	vle.f32 v22, $2.500000000e+01;
	v4 =	vld.idx.msk [tilespmem:v5+s30+$0x0], $0xffff  }
0xeb: {  	v63 =	vmul.f32 v27, v27;
	v18 =	vld.idx.msk [tilespmem:v18+s30+$0x0], $0xffff;
	v7 =	vshra.s32 v7, $0xA;
	v5 =	vmul.f32 v3, v3  }
0xec: {  	v11 =	vshra.s32 v11, $0xA;
	v13 =	vshra.s32 v13, $0xA;
	v7 =	vcvt.s32.f32 v7;
	v3 =	vld.idx.msk [tilespmem:v10+s30+$0x0], $0xffff  }
0xed: {  	v6 =	vld.idx.msk [tilespmem:v19+s30+$0x0], $0xffff;
	v16 =	vshra.s32 v20, $0xA;
	v20 =	vshra.s32 v1, $0xA;
	v10 =	vmul.f32 v5, v5  }
0xee: {  	v8 =	vld.idx.msk [tilespmem:v15+s30+$0x0], $0xffff;
	v11 =	vcvt.s32.f32 v11;
	v19 =	vcvt.s32.f32 v20;
	v20 =	vshra.s32 v2, $0xA  }
0xef: {  	v5 =	vmul.f32 v10, v5;
	v10 =	vcvt.s32.f32 v16;
	v16 =	vshra.s32 v4, $0xA;
	v4 =	vld.idx.msk [tilespmem:v12+s30+$0x0], $0xffff  }
0xf0: {  	v18 =	vshra.s32 v18, $0xA;
	v20 =	vcvt.s32.f32 v20;
	v12 =	vpop (erf);
	v16 =	vcvt.s32.f32 v16  }
0xf1: {  	v13 =	vcvt.s32.f32 v13;
	v12 =	vmul.f32 v5, v12;
	v5 =	vld.idx.msk [tilespmem:v14+s30+$0x0], $0xffff;
	v14 =	vshra.s32 v3, $0xA  }
0xf2: {  	v15 =	vadd.f32 v16, v19;
	v16 =	vshra.s32 v6, $0xA;
	v19 =	vadd.f32 v7, v20;
	v7 =	vld.idx.msk [tilespmem:v17+s30+$0x0], $0xffff  }
0xf3: {  	v8 =	vshra.s32 v8, $0xA;
	v14 =	vcvt.s32.f32 v14;
	v20 =	vld [tilespmem:s0+$0xFFFFFFC0];
	v16 =	vcvt.s32.f32 v16  }
0xf4: {  	v8 =	vcvt.s32.f32 v8;
	v17 =	vshra.s32 v4, $0xA;
	v15 =	vmul.f32 $9.536743160e-07, v15  }
0xf5: {  	v11 =	vadd.f32 v11, v14;
	v14 =	vld [tilespmem:s0+$0xFFFFFFE0];
	v21 =	vcvt.s32.f32 v17;
	v10 =	vadd.f32 v10, v16  }
0xf6: {  	v16 =	vmul.f32 $9.536743160e-07, v19;
	v17 =	vshra.s32 v5, $0xA;
	v15 =	vmul.f32 v15, v15  }
0xf7: {  	v23 =	vld [tilespmem:s0+$0x0];
	v9 =	vand.u32 $0x3FF, v9;
	v19 =	vcvt.s32.f32 v17;
	v17 =	vmul.f32 $9.536743160e-07, v10  }
0xf8: {  	v25 =	vld [tilespmem:s0+$0x10];
	v13 =	vadd.f32 v13, v21;
	v21 =	vshra.s32 v7, $0xA;
	v24 =	vmul.f32 v20, v20  }
0xf9: {  	v10 =	vld [tilespmem:s0+$0xFFFFFFF0];
	v21 =	vcvt.s32.f32 v21;
	v19 =	vadd.f32 v8, v19;
	v8 =	vcvt.s32.f32 v18  }
0xfa: {  	v12 =	vnsel vm2, $0x0, v12;
	v24 =	vmul.f32 v24, v20;
	v28 =	vmul.f32 v14, v14  }
0xfb: {  	vm0 =	vle.f32 v20, $2.500000000e+01;
	v18 =	vmul.f32 $9.536743160e-07, v11;
	v11 =	vmul.f32 v26, v22  }
0xfc: {  	[tilespmem:v9+s22+$0x0] =	vst.idx.add.f32.msk $0xffff, v12;
	v22 =	vmul.f32 v23, v23;
	vm1 =	vle.f32 v14, $2.500000000e+01;
	v12 =	vmul.f32 $9.536743160e-07, v13  }
0xfd: {  	v20 =	vadd.f32 v8, v21;
	v21 =	vmul.f32 v28, v14;
	v14 =	vmul.f32 v25, v25  }
0xfe: {  	vm5 =	vle.f32 v25, $2.500000000e+01;
	(erf) = vrcp.f32 v24;
	v8 =	vmul.f32 v10, v10  }
0xff: {  	vm6 =	vle.f32 v27, $2.500000000e+01;
	(erf) = vrcp.f32 v11;
	v11 =	vmul.f32 v14, v25  }
0x100: {  	vm2 =	vle.f32 v23, $2.500000000e+01;
	v14 =	vmul.f32 v63, v27;
	v8 =	vmul.f32 v8, v10  }
0x101: {  	s1 =	simm.s32 $0x0;
	s15 =	simm.s32 $0x1BCC0;
	vm3 =	vle.f32 v10, $2.500000000e+01;
	(erf) = vrcp.f32 v21;
	v10 =	vmul.f32 v22, v23  }
.LBB2_9:
0x102: {  	v21 =	vld [tilespmem:s15+$0x30];
	v9 =	vand.u32 $0x3FF, v6;
	v6 =	vmul.f32 $9.536743160e-07, v19;
	s31 =	sadd.s32 $0x80, s31;
	(erf) = vrcp.f32 v8  }
0x103: {  	s1 =	sadd.s32 $0x8, s1;
	v8 =	vand.u32 $0x3FF, v1;
	v1 =	vmul.f32 $9.536743160e-07, v20;
	v19 =	vld [tilespmem:s31+$0x30];
	(erf) = vrcp.f32 v10  }
0x104: {  	v17 =	vmul.f32 v17, v17;
	p0 =	slt.u32 s1, $0xF0;
	v10 =	vand.u32 $0x3FF, v2;
	v20 =	vld [tilespmem:s31+$0xFFFFFFC0];
	(erf) = vrcp.f32 v11  }
0x105: {  	v16 =	vmul.f32 v16, v16;
	v11 =	vand.u32 $0x3FF, v3;
	v2 =	vld [tilespmem:s15+$0xFFFFFFD0];
	(erf) = vrcp.f32 v14  }
0x106: {  	v18 =	vmul.f32 v18, v18;
	v22 =	vmul.f32 v12, v12;
	v14 =	vand.u32 $0x3FF, v4;
	v3 =	vld [tilespmem:s31+$0xFFFFFFD0]  }
0x107: {  	v12 =	vand.u32 $0x3FF, v5;
	v6 =	vmul.f32 v6, v6;
	v1 =	vmul.f32 v1, v1;
	v4 =	vld [tilespmem:s15+$0xFFFFFFE0]  }
0x108: {  	v24 =	vmul.f32 v15, v15;
	v13 =	vand.u32 $0x3FF, v7;
	s0 =	sadd.s32 $0x80, s0;
	v23 =	vmul.f32 v17, v17;
	v5 =	vld [tilespmem:s31+$0xFFFFFFE0];
	v7 =	vpop (erf)  }
0x109: {  	v26 =	vmul.f32 v16, v16;
	v27 =	vmul.f32 v18, v18;
	v25 =	vld [tilespmem:s0+$0x30];
	v28 =	vpop (erf)  }
0x10a: {  	v29 =	vmul.f32 v22, v22;
	v30 =	vmul.f32 v6, v6;
	v21 =	vld.idx.msk [tilespmem:v21+s30+$0x0], $0xffff;
	v31 =	vpop (erf)  }
0x10b: {  	v17 =	vmul.f32 v23, v17;
	v34 =	vmul.f32 v1, v1;
	v19 =	vld.idx.msk [tilespmem:v19+s30+$0x0], $0xffff;
	v32 =	vpop (erf)  }
0x10c: {  	v15 =	vmul.f32 v24, v15;
	v16 =	vmul.f32 v26, v16;
	v33 =	vld [tilespmem:s15+$0xFFFFFFF0];
	v24 =	vpop (erf)  }
0x10d: {  	v18 =	vmul.f32 v27, v18;
	v22 =	vmul.f32 v29, v22;
	v26 =	vld [tilespmem:s31+$0xFFFFFFF0];
	v27 =	vpop (erf)  }
0x10e: {  	v6 =	vmul.f32 v30, v6;
	v1 =	vmul.f32 v34, v1;
	v29 =	vld [tilespmem:s15+$0x0];
	v23 =	vpop (erf)  }
0x10f: {  	v7 =	vmul.f32 v17, v7;
	v34 =	vmul.f32 v25, v25;
	v30 =	vld [tilespmem:s31+$0x0]  }
0x110: {  	v15 =	vmul.f32 v15, v28;
	v16 =	vmul.f32 v16, v31;
	v17 =	vld [tilespmem:s15+$0x10]  }
0x111: {  	v31 =	vshra.s32 v21, $0xA;
	v19 =	vshra.s32 v19, $0xA;
	v34 =	vmul.f32 v34, v25;
	v28 =	vld [tilespmem:s31+$0x10]  }
0x112: {  	v36 =	vnsel vm0, $0x0, v7;
	v31 =	vcvt.s32.f32 v31;
	v19 =	vcvt.s32.f32 v19;
	v35 =	vld [tilespmem:s15+$0x20]  }
0x113: {  	v38 =	vnsel vm4, $0x0, v15;
	v7 =	vmul.f32 v18, v32;
	v15 =	vmul.f32 v22, v24;
	v37 =	vld [tilespmem:s31+$0x20]  }
0x114: {  	v6 =	vmul.f32 v6, v27;
	v19 =	vadd.f32 v19, v31;
	v18 =	vld [tilespmem:s15+$0xFFFFFFC0];
	(erf) = vrcp.f32 v34  }
0x115: {  	v22 =	vnsel vm1, $0x0, v16;
	v24 =	vnsel vm3, $0x0, v7;
	v7 =	vmul.f32 v1, v23;
	v20 =	vld.idx.msk [tilespmem:v20+s30+$0x0], $0xffff  }
0x116: {  	v23 =	vnsel vm2, $0x0, v15;
	v27 =	vnsel vm5, $0x0, v6;
	v16 =	vmul.f32 $9.536743160e-07, v19;
	v1 =	vld.idx.msk [tilespmem:v2+s30+$0x0], $0xffff  }
0x117: {  	v31 =	vnsel vm6, $0x0, v7;
	v15 =	vld.idx.msk [tilespmem:v3+s30+$0x0], $0xffff  }
0x118: {  	v2 =	vld.idx.msk [tilespmem:v4+s30+$0x0], $0xffff;
	v4 =	vmul.f32 v16, v16  }
0x119: {  	v5 =	vld.idx.msk [tilespmem:v5+s30+$0x0], $0xffff  }
0x11a: {  	v3 =	vld.idx.msk [tilespmem:v33+s30+$0x0], $0xffff;
	v7 =	vmul.f32 v4, v4  }
0x11b: {  	v16 =	vshra.s32 v20, $0xA;
	v19 =	vld.idx.msk [tilespmem:v26+s30+$0x0], $0xffff  }
0x11c: {  	v20 =	vand.u32 $0x3FF, v21;
	v6 =	vld.idx.msk [tilespmem:v18+s30+$0x0], $0xffff;
	v18 =	vshra.s32 v1, $0xA;
	v7 =	vmul.f32 v7, v4  }
0x11d: {  	v16 =	vcvt.s32.f32 v16;
	v15 =	vshra.s32 v15, $0xA;
	v18 =	vcvt.s32.f32 v18;
	v4 =	vld.idx.msk [tilespmem:v29+s30+$0x0], $0xffff;
	v21 =	vpop (erf)  }
0x11e: {  	v15 =	vcvt.s32.f32 v15;
	v26 =	vshra.s32 v2, $0xA;
	v29 =	vld.idx.msk [tilespmem:v30+s30+$0x0], $0xffff;
	v7 =	vmul.f32 v7, v21  }
0x11f: {  	vm0 =	vle.f32 v25, $2.500000000e+01;
	v21 =	vcvt.s32.f32 v26;
	v26 =	vshra.s32 v5, $0xA;
	v5 =	vld.idx.msk [tilespmem:v17+s30+$0x0], $0xffff  }
0x120: {  	v17 =	vcvt.s32.f32 v26;
	v25 =	vshra.s32 v3, $0xA;
	v26 =	vld.idx.msk [tilespmem:v28+s30+$0x0], $0xffff;
	v7 =	vnsel vm0, $0x0, v7  }
0x121: {  	v15 =	vadd.f32 v15, v18;
	v18 =	vcvt.s32.f32 v25;
	v19 =	vshra.s32 v19, $0xA;
	[tilespmem:v20+s22+$0x0] =	vst.idx.add.f32.msk $0xffff, v7  }
0x122: {  	v20 =	vshra.s32 v6, $0xA;
	v17 =	vadd.f32 v17, v21;
	v19 =	vcvt.s32.f32 v19;
	v7 =	vld.idx.msk [tilespmem:v35+s30+$0x0], $0xffff  }
0x123: {  	v15 =	vmul.f32 $9.536743160e-07, v15;
	v20 =	vcvt.s32.f32 v20;
	v21 =	vshra.s32 v4, $0xA;
	v25 =	vld.idx.msk [tilespmem:v37+s30+$0x0], $0xffff  }
0x124: {  	v18 =	vadd.f32 v19, v18;
	v19 =	vcvt.s32.f32 v21;
	v21 =	vshra.s32 v29, $0xA;
	v28 =	vld [tilespmem:s0+$0xFFFFFFC0]  }
0x125: {  	v20 =	vadd.f32 v16, v20;
	v21 =	vcvt.s32.f32 v21;
	v30 =	vshra.s32 v5, $0xA;
	v29 =	vld [tilespmem:s0+$0xFFFFFFD0]  }
0x126: {  	v16 =	vmul.f32 $9.536743160e-07, v17;
	v30 =	vcvt.s32.f32 v30;
	v26 =	vshra.s32 v26, $0xA;
	v32 =	vld [tilespmem:s0+$0xFFFFFFE0]  }
0x127: {  	v17 =	vmul.f32 $9.536743160e-07, v20;
	v21 =	vadd.f32 v21, v19;
	v19 =	vcvt.s32.f32 v26;
	v33 =	vld [tilespmem:s0+$0xFFFFFFF0]  }
0x128: {  	v15 =	vmul.f32 v15, v15;
	v18 =	vmul.f32 $9.536743160e-07, v18;
	v20 =	vshra.s32 v7, $0xA;
	v26 =	vld [tilespmem:s0+$0x0]  }
0x129: {  	v20 =	vcvt.s32.f32 v20;
	v25 =	vshra.s32 v25, $0xA;
	v34 =	vmul.f32 v28, v28;
	v35 =	vld [tilespmem:s0+$0x10]  }
0x12a: {  	v19 =	vadd.f32 v19, v30;
	v25 =	vcvt.s32.f32 v25;
	v37 =	vmul.f32 v29, v29;
	v30 =	vld [tilespmem:s0+$0x20]  }
0x12b: {  	vm0 =	vle.f32 v28, $2.500000000e+01;
	v34 =	vmul.f32 v34, v28;
	v28 =	vmul.f32 v32, v32;
	[tilespmem:v9+s22+$0x0] =	vst.idx.add.f32.msk $0xffff, v36  }
0x12c: {  	v20 =	vadd.f32 v25, v20;
	v9 =	vmul.f32 v37, v29;
	v36 =	vmul.f32 v33, v33  }
0x12d: {  	vm4 =	vle.f32 v29, $2.500000000e+01;
	v25 =	vmul.f32 v28, v32;
	v28 =	vmul.f32 v26, v26;
	[tilespmem:v8+s22+$0x0] =	vst.idx.add.f32.msk $0xffff, v38  }
.Ltmp3:
0x12e: {  	vm1 =	vle.f32 v32, $2.500000000e+01;
	v8 =	vmul.f32 v36, v33;
	v29 =	vmul.f32 v35, v35;
	[tilespmem:v10+s22+$0x0] =	vst.idx.add.f32.msk $0xffff, v22;
	(pc) =	sbr.rel @p0 .LBB2_9-.Ltmp3, $4  }
0x12f: {  	vm3 =	vle.f32 v33, $2.500000000e+01;
	v10 =	vmul.f32 v28, v26;
	v22 =	vmul.f32 v30, v30;
	[tilespmem:v11+s22+$0x0] =	vst.idx.add.f32.msk $0xffff, v24  }
0x130: {  	vm2 =	vle.f32 v26, $2.500000000e+01;
	v11 =	vmul.f32 v29, v35;
	(erf) = vrcp.f32 v34;
	[tilespmem:v14+s22+$0x0] =	vst.idx.add.f32.msk $0xffff, v23  }
0x131: {  	vm5 =	vle.f32 v35, $2.500000000e+01;
	v14 =	vmul.f32 v22, v30;
	(erf) = vrcp.f32 v9;
	[tilespmem:v12+s22+$0x0] =	vst.idx.add.f32.msk $0xffff, v27  }
0x132: {  	s15 =	sadd.s32 $0x80, s15;
	vm6 =	vle.f32 v30, $2.500000000e+01;
	v12 =	vmul.f32 $9.536743160e-07, v21;
	(erf) = vrcp.f32 v25;
	[tilespmem:v13+s22+$0x0] =	vst.idx.add.f32.msk $0xffff, v31  }
0x133: {  	v9 =	vmul.f32 $9.536743160e-07, v19  }
0x134: {  	(erf) = vrcp.f32 v8;
	v48 =	vmul.f32 $9.536743160e-07, v20  }
0x135: {  	v49 =	vmul.f32 v17, v17;
	v50 =	vmul.f32 v16, v16  }
0x136: {  	v13 =	vmul.f32 v18, v18;
	v52 =	vmul.f32 v15, v15  }
0x137: {  	(erf) = vrcp.f32 v10;
	v12 =	vmul.f32 v12, v12  }
0x138: {  	(erf) = vrcp.f32 v11;
	v9 =	vmul.f32 v9, v9  }
0x139: {  	v6 =	vand.u32 $0x3FF, v6;
	v8 =	vmul.f32 v48, v48;
	v51 =	vmul.f32 v49, v49  }
0x13a: {  	v1 =	vand.u32 $0x3FF, v1;
	v53 =	vmul.f32 v50, v50;
	(erf) = vrcp.f32 v14  }
0x13b: {  	v2 =	vand.u32 $0x3FF, v2;
	v18 =	vmul.f32 v13, v13;
	v15 =	vmul.f32 v52, v15  }
0x13c: {  	v3 =	vand.u32 $0x3FF, v3;
	v54 =	vmul.f32 v12, v12;
	v10 =	vmul.f32 v51, v49  }
0x13d: {  	v4 =	vand.u32 $0x3FF, v4;
	v55 =	vmul.f32 v9, v9;
	v21 =	vmul.f32 v8, v8;
	v56 =	vpop (erf)  }
0x13e: {  	v5 =	vand.u32 $0x3FF, v5;
	v11 =	vmul.f32 v53, v50;
	v57 =	vpop (erf);
	v10 =	vmul.f32 v10, v56  }
0x13f: {  	v7 =	vand.u32 $0x3FF, v7;
	v13 =	vmul.f32 v18, v13;
	v58 =	vpop (erf);
	v15 =	vmul.f32 v15, v57  }
0x140: {  	v12 =	vmul.f32 v54, v12;
	v59 =	vpop (erf);
	v11 =	vmul.f32 v11, v58;
	v10 =	vnsel vm0, $0x0, v10  }
0x141: {  	v9 =	vmul.f32 v55, v9;
	v60 =	vpop (erf);
	v15 =	vnsel vm4, $0x0, v15;
	v13 =	vmul.f32 v13, v59;
	[tilespmem:v6+s22+$0x0] =	vst.idx.add.f32.msk $0xffff, v10  }
0x142: {  	v8 =	vmul.f32 v21, v8;
	v61 =	vpop (erf);
	v62 =	vmul.f32 v12, v60;
	v11 =	vnsel vm1, $0x0, v11;
	[tilespmem:v1+s22+$0x0] =	vst.idx.add.f32.msk $0xffff, v15  }
0x143: {  	v1 =	vpop (erf);
	v6 =	vmul.f32 v9, v61;
	v63 =	vnsel vm3, $0x0, v13;
	[tilespmem:v2+s22+$0x0] =	vst.idx.add.f32.msk $0xffff, v11  }
0x144: {  	v1 =	vmul.f32 v8, v1;
	v2 =	vnsel vm2, $0x0, v62;
	[tilespmem:v3+s22+$0x0] =	vst.idx.add.f32.msk $0xffff, v63  }
0x145: {  	v3 =	vnsel vm5, $0x0, v6;
	[tilespmem:v4+s22+$0x0] =	vst.idx.add.f32.msk $0xffff, v2  }
0x146: {  	v1 =	vnsel vm6, $0x0, v1;
	[tilespmem:v5+s22+$0x0] =	vst.idx.add.f32.msk $0xffff, v3  }
0x147: {  	[tilespmem:v7+s22+$0x0] =	vst.idx.add.f32.msk $0xffff, v1  }
.LBB2_11:
0x148: {  	s0 =	sshra.s32 s30, $0x2  }
0x149: {  	v1 =	vld [tilespmem:s0+$0x1CB80]  }
0x14a: {  	v2 =	vld [tilespmem:s0+$0x1DB80];
	_ =	sdelay $0x5  }
0x14b: {  	v3 =	vld [tilespmem:s0+$0x1EB80]  }
0x14c: {  	v1 =	vld.idx.msk [tilespmem:v1+s4+$0x0], $0xffff  }
0x14d: {  	v2 =	vld.idx.msk [tilespmem:v2+s4+$0x0], $0xffff;
	_ =	sdelay $0x2  }
0x14e: {  	v5 =	vmul.f32 v3, v3;
	_ =	sdelay $0x1  }
0x14f: {  	v5 =	vmul.f32 v5, v3;
	v4 =	vshra.s32 v1, $0xA;
	v2 =	vshra.s32 v2, $0xA  }
0x150: {  	v4 =	vcvt.s32.f32 v4;
	v2 =	vcvt.s32.f32 v2;
	_ =	sdelay $0x1  }
0x151: {  	(erf) = vrcp.f32 v5;
	v2 =	vadd.f32 v2, v4;
	_ =	sdelay $0x1  }
0x152: {  	v2 =	vmul.f32 $9.536743160e-07, v2;
	_ =	sdelay $0x1  }
0x153: {  	v2 =	vmul.f32 v2, v2;
	_ =	sdelay $0x1  }
0x154: {  	v62 =	vmul.f32 v2, v2;
	_ =	sdelay $0x1  }
0x155: {  	p0 =	sne.s32 s30, $0x40;
	v1 =	vand.u32 $0x3FF, v1;
	v2 =	vmul.f32 v62, v2  }
.Ltmp4:
0x156: {  	v63 =	vpop (erf);
	(pc) =	sbr.rel @p0 .LBB2_11-.Ltmp4, $4  }
0x157: {  	v2 =	vmul.f32 v2, v63  }
0x158: {  	vm0 =	vle.f32 v3, $2.500000000e+01  }
0x159: {  	v2 =	vnsel vm0, $0x0, v2  }
0x15a: {  	s30 =	sadd.s32 $0x40, s30;
	[tilespmem:v1+s22+$0x0] =	vst.idx.add.f32.msk $0xffff, v2  }
0x15b: {  	s29 =	sadd.s32 $0x1, s29  }
0x15c: {  	p0 =	sne.s32 s29, $0x19  }
.Ltmp5:
0x15d: {  	_ = 	snop;
	(pc) =	sbr.rel @p0 .LBB2_4-.Ltmp5, $1  }
0x15e: {  	_ =	sdelay $0x3  }
0x15f: {  	s26 =	sadd.s32 $0x1, s26  }
0x160: {  	p0 =	sne.s32 s26, s13  }
.Ltmp6:
0x161: {  	_ = 	snop;
	(pc) =	sbr.rel @p0 .LBB2_1-.Ltmp6, $4  }
0x162: {  	[hbm4b:s12+s24] =	stream.strided.scatter [tilespmem:s22], [sflag:$0x3], $0x400, s25, s24, $0x38;
	[tilespmem:$0x1EC00] =	vst v63  }
0x163: {  	_ =	swait.ge [sflag:s14], $0x400  }
0x164: {  	[sflag:s14] =	ssyncset.done $0x0  }
0x165: {  	[sflag:s14] =	ssyncadd.s32 $0xFFFFFC00  }
0x166: {  	_ =	sfence.sel $0x180000  }
0x167: {  	[bflag:$0x0] =	sbarrier.arrive $0xFFFF  }
0x168: {  	_ =	strace $0x9000004A  }
0x169: {  	s0 =	stileid.u32;
	[bflag:$0x2] =	sbarrier.arrive $0xFFFF  }
0x16a: {  	p0 =	sne.s32 s0, $0x0;
	s0 =	rddreg [dreg:$0x3]  }
0x16b: {  	s0 =	sadd.s32 @!p0 $0x100000, s0  }
0x16c: {  	[sflag:s0] =	ssyncadd.tile.s32 @!p0 $0x1;
	_ =	shalt  }
.Lfunc_end2:
_tile_overlayer_lowered:
.L_overlay_start_2:
0x16d: {  	(tag) =	ssettag $0x2  }
0x16e: {  	s0 =	rddreg [dreg:$0x0];
	s2 =	stileid.u32  }
0x16f: {  	s1 =	rddreg [dreg:$0x1];
	p0 =	sne.s32 s2, $0x0  }
0x170: {  	s3 =	rddreg [dreg:$0x2];
	[bflag:$0x3] =	sbarrier.arrive $0xFFFF;
	s2 =	simm.s32 @!p0 $0x1C03  }
0x171: {  	[timem:s3], [sflag:s2] =	dma.local @!p0 [hbm:s0], s1  }
0x172: {  	s0 =	simm.s32 @!p0 $0x3  }
0x173: {  	_ =	swait.ge @!p0 [sflag:s0], s1  }
0x174: {  	s1 =	ssub.s32 @!p0 $0x0, s1;
	[sflag:s0] =	ssyncset.done @!p0 $0x0  }
0x175: {  	[sflag:s0] =	ssyncadd.s32 @!p0 s1  }
0x176: {  	[bflag:$0x3] =	sbarrier.arrive $0xFFFF  }
0x177: {  	_ =	shalt  }

</sc_bundles>
